<compile_context>
chip_gen: v7x
topology: tpu7x:2x2x1
jax: 0.10.2.dev20260603
libtpu: 0.0.44.dev20260713+nightly
codegen_flags: <defaults>
</compile_context>

<pallas_src>
import functools

import jax
import jax.numpy as jnp
from jax import lax
from jax.experimental import pallas as pl
from jax.experimental.pallas import tpu as pltpu
from jax.experimental.pallas import tpu_sc as plsc

_N = 10000
_E = 320000
_D = 128
_DE = 16
_EB = _E // 8

_NC = 2
_NS = 16
_NW = _NC * _NS
_EW = _E // _NW
_B = 1000
_NB = _EW // _B
_SB = 125
_JR = _B // _SB
_NP = 10240
_NPT = _NP // _NS



def _node_proj_body(x_ref, ws_ref, wr_ref, xs_ref, xr_ref):
    xv = x_ref[...]
    xs_ref[...] = jnp.dot(xv, ws_ref[...], preferred_element_type=jnp.float32)
    xr_ref[...] = jnp.dot(xv, wr_ref[...], preferred_element_type=jnp.float32)


def _edge_proj_body(eaT_ref, waT_ref, b_ref, o_ref):
    o_ref[...] = jnp.dot(waT_ref[...], eaT_ref[...],
                         preferred_element_type=jnp.float32) + b_ref[...]


def _node_mlp_body(x_ref, a0_ref, a1_ref, wt_ref, wb_ref, b_ref, o_ref):
    acc = jnp.dot(x_ref[...], wt_ref[...], preferred_element_type=jnp.float32)
    aT = a0_ref[...] + a1_ref[...]
    acc = acc + lax.dot_general(aT, wb_ref[...], (((0,), (0,)), ((), ())),
                                preferred_element_type=jnp.float32)
    o_ref[...] = jnp.maximum(acc + b_ref[...], 0.0)



def _sc_edges_body(xs_hbm, xr_hbm, eaT_hbm, ei_hbm,
                   mT_hbm, parts_hbm,
                   idx_s0, idx_r0, bufs0, bufe0,
                   idx_s1, idx_r1, bufs1, bufe1,
                   bufmT0, bufmT1, agg_sh,
                   sem_l0, sem_l1, sem_g0, sem_g1, sem_w0, sem_w1):
    c = lax.axis_index("c")
    s = lax.axis_index("s")
    wid = c * _NS + s
    e0 = wid * _EW
    lanes = lax.iota(jnp.int32, _DE)

    sets = ((idx_s0, idx_r0, bufs0, bufe0, sem_l0, sem_g0, bufmT0, sem_w0),
            (idx_s1, idx_r1, bufs1, bufe1, sem_l1, sem_g1, bufmT1, sem_w1))

    def _eb(b):
        return e0 + jnp.minimum(b, _NB - 1) * _B

    def _fire_loads(b, S):
        eb = _eb(b)
        pltpu.async_copy(ei_hbm.at[0, pl.ds(eb, _B)], S[0], S[4])
        pltpu.async_copy(ei_hbm.at[1, pl.ds(eb, _B)], S[1], S[4])
        pltpu.async_copy(eaT_hbm.at[:, pl.ds(eb, _B)], S[3], S[4])

    def _drain_loads(S):
        eb = e0
        pltpu.make_async_copy(ei_hbm.at[0, pl.ds(eb, _B)], S[0], S[4]).wait()
        pltpu.make_async_copy(ei_hbm.at[1, pl.ds(eb, _B)], S[1], S[4]).wait()
        pltpu.make_async_copy(eaT_hbm.at[:, pl.ds(eb, _B)], S[3], S[4]).wait()

    def _fire_gather_xs(S):
        pltpu.async_copy(xs_hbm.at[S[0]], S[2], S[5])

    def _fire_gather_xr_add(S):
        pltpu.async_copy(xr_hbm.at[S[1]], S[2], S[5], add=True)

    def _drain_gather(S):
        pltpu.make_async_copy(xs_hbm.at[S[0]], S[2], S[5]).wait()

    def _zero(i, carry):
        bufs0[i] = jnp.zeros((_DE,), jnp.float32)
        return carry
    lax.fori_loop(0, _NPT, _zero, 0)
    pltpu.sync_copy(bufs0.at[pl.ds(0, _NPT)], agg_sh.at[pl.ds(s * _NPT, _NPT)])
    plsc.subcore_barrier()

    _fire_loads(0, sets[0])
    _drain_loads(sets[0])
    _fire_gather_xs(sets[0])
    _fire_loads(1, sets[1])
    _drain_gather(sets[0])
    _fire_gather_xr_add(sets[0])
    lanes0 = lanes

    def _drain_mwrite(S):
        pltpu.make_async_copy(S[6], mT_hbm.at[:, pl.ds(e0, _B)],
                              S[7]).wait()

    def _process(b, S, T, warm):
        _drain_loads(T)
        _fire_gather_xs(T)
        _drain_gather(S)

        bufs, bufe = S[2], S[3]
        bufmT = S[6]

        @pl.when(warm)
        def _():
            _drain_mwrite(S)

        def _relu(i2, carry):
            for u in range(8):
                row = i2 * 8 + u
                col = jnp.full((_DE,), row, jnp.int32)
                eac = plsc.load_gather(bufe, [lanes, col])
                val = jnp.maximum(bufs[row] + eac, 0.0)
                bufs[row] = val
                plsc.store_scatter(bufmT, [lanes, col], val)
            return carry
        lax.fori_loop(0, _B // 8, _relu, 0)

        _drain_gather(T)
        _fire_gather_xr_add(T)

        eb = e0 + b * _B
        pltpu.async_copy(bufmT, mT_hbm.at[:, pl.ds(eb, _B)], S[7])
        pltpu.sync_copy(bufs, agg_sh.at[S[1]], add=True)

        _fire_loads(b + 2, S)

    def _pair(i, carry):
        warm = i >= 1
        _process(2 * i, sets[0], sets[1], warm)
        _process(2 * i + 1, sets[1], sets[0], warm)
        return carry
    lax.fori_loop(0, _NB // 2, _pair, 0)

    _drain_loads(sets[1])
    _drain_gather(sets[0])
    _drain_mwrite(sets[0])
    _drain_mwrite(sets[1])

    plsc.subcore_barrier()
    pltpu.sync_copy(agg_sh.at[pl.ds(s * _NPT, _NPT)],
                    bufs0.at[pl.ds(0, _NPT)])

    def _flatten(i, carry):
        col = jnp.full((_DE,), i, jnp.int32)
        plsc.store_scatter(bufmT0, [lanes0, col], bufs0[i])
        return carry
    lax.fori_loop(0, _NPT, _flatten, 0)
    pltpu.sync_copy(bufmT0.at[:, pl.ds(0, _NPT)],
                    parts_hbm.at[:, pl.ds(c * _NP + s * _NPT, _NPT)])


_scratch_set = [
    pltpu.VMEM((_B,), jnp.int32),
    pltpu.VMEM((_B,), jnp.int32),
    pltpu.VMEM((_B, _DE), jnp.float32),
    pltpu.VMEM((_DE, _B), jnp.float32),
]

_sc_edges = functools.partial(
    pl.kernel,
    out_type=(jax.ShapeDtypeStruct((_DE, _E), jnp.float32),
              jax.ShapeDtypeStruct((_DE, _NC * _NP), jnp.float32)),
    mesh=plsc.VectorSubcoreMesh(core_axis_name="c", subcore_axis_name="s"),
    compiler_params=pltpu.CompilerParams(use_tc_tiling_on_sc=False,
                                         needs_layout_passes=False),
    scratch_types=_scratch_set + _scratch_set + [
        pltpu.VMEM((_DE, _B), jnp.float32),
        pltpu.VMEM((_DE, _B), jnp.float32),
        pltpu.VMEM_SHARED((_NP, _DE), jnp.float32),
        pltpu.SemaphoreType.DMA,
        pltpu.SemaphoreType.DMA,
        pltpu.SemaphoreType.DMA,
        pltpu.SemaphoreType.DMA,
        pltpu.SemaphoreType.DMA,
        pltpu.SemaphoreType.DMA,
    ],
)(_sc_edges_body)



@jax.jit
def kernel(x, edge_index, edge_attr, W_edge, b_edge, W_node, b_node):
    w_s = W_edge[:_D]
    w_r = W_edge[_D:2 * _D]
    w_a = W_edge[2 * _D:]

    xs, xr = pl.pallas_call(
        _node_proj_body,
        out_shape=(jax.ShapeDtypeStruct((_N, _DE), jnp.float32),
                   jax.ShapeDtypeStruct((_N, _DE), jnp.float32)),
    )(x, w_s, w_r)

    eaT = edge_attr.T
    ea = pl.pallas_call(
        _edge_proj_body,
        grid=(10,),
        in_specs=[pl.BlockSpec((_DE, _E // 10), lambda i: (0, i)),
                  pl.BlockSpec((_DE, _DE), lambda i: (0, 0)),
                  pl.BlockSpec((_DE, 1), lambda i: (0, 0))],
        out_specs=pl.BlockSpec((_DE, _E // 10), lambda i: (0, i)),
        out_shape=jax.ShapeDtypeStruct((_DE, _E), jnp.float32),
    )(eaT, w_a.T, b_edge.reshape(_DE, 1))

    mT, partsT = _sc_edges(xs, xr, ea, edge_index)
    m = mT.T

    nodes = pl.pallas_call(
        _node_mlp_body,
        grid=(10,),
        in_specs=[pl.BlockSpec((1024, _D), lambda i: (i, 0)),
                  pl.BlockSpec((_DE, 1024), lambda i: (0, i)),
                  pl.BlockSpec((_DE, 1024), lambda i: (0, i)),
                  pl.BlockSpec((_D, _D), lambda i: (0, 0)),
                  pl.BlockSpec((_DE, _D), lambda i: (0, 0)),
                  pl.BlockSpec((1, _D), lambda i: (0, 0))],
        out_specs=pl.BlockSpec((1024, _D), lambda i: (i, 0)),
        out_shape=jax.ShapeDtypeStruct((_N, _D), jnp.float32),
    )(x, partsT[:, :_NP], partsT[:, _NP:], W_node[:_D], W_node[_D:],
      b_node.reshape(1, _D))

    return nodes, m

# --- scband reference (transcript-rebuilt; emitter-appended) ---
"""Pipeline reference for scband-interaction-network-1554778161262 (READ-ONLY COPY).

The authoritative reference and input builder live on the scoring server;
editing this copy changes nothing except your own understanding.
"""

import jax, jax.numpy as jnp
import numpy as np

N = 10000
E = 320000
D = 128
DE = 16
EDGE_IN = 2 * D + DE  # 272
NODE_IN = D + DE      # 144


def setup_inputs(seed: int = 0) -> dict:
    key = jax.random.key(seed)
    k1, k2, k3, k4, k5 = jax.random.split(key, 5)
    x = jax.random.normal(k1, (N, D), dtype=jnp.float32)
    edge_index = jax.random.randint(k2, (2, E), 0, N, dtype=jnp.int32)
    edge_attr = jax.random.normal(k3, (E, DE), dtype=jnp.float32)
    W_edge = jax.random.normal(k4, (EDGE_IN, DE), dtype=jnp.float32) * 0.05
    b_edge = jnp.zeros((DE,), dtype=jnp.float32)
    W_node = jax.random.normal(k5, (NODE_IN, D), dtype=jnp.float32) * 0.05
    b_node = jnp.zeros((D,), dtype=jnp.float32)
    return {"x": x, "edge_index": edge_index, "edge_attr": edge_attr,
            "W_edge": W_edge, "b_edge": b_edge, "W_node": W_node, "b_node": b_node}


def reference(x, edge_index, edge_attr, W_edge, b_edge, W_node, b_node):
    senders = edge_index[0]
    receivers = edge_index[1]
    sender_features = x[senders]
    receiver_features = x[receivers]
    edge_inputs = jnp.concatenate([sender_features, receiver_features, edge_attr], axis=-1)
    updated_edge_attr = jax.nn.relu(edge_inputs @ W_edge + b_edge)
    aggregated_messages = jax.ops.segment_sum(updated_edge_attr, receivers, num_segments=N)
    node_inputs = jnp.concatenate([x, aggregated_messages], axis=-1)
    updated_nodes = jax.nn.relu(node_inputs @ W_node + b_node)
    return updated_nodes, updated_edge_attr

if __name__ == "__main__":
    import jax
    _d = setup_inputs()
    print(jax.jit(kernel)(*tuple(_d.values())))

</pallas_src>

<mosaic_0001>
#map = affine_map<(d0, d1) -> (0, 0)>
module attributes {stable_mosaic.version = 14 : i64} {
  func.func @_sc_edges_body(%arg0: i32, %arg1: i32, %arg2: memref<10000x16xf32, #tpu.memory_space<hbm>>, %arg3: memref<10000x16xf32, #tpu.memory_space<hbm>>, %arg4: memref<16x320000xf32, #tpu.memory_space<hbm>>, %arg5: memref<2x320000xi32, #tpu.memory_space<hbm>>, %arg6: memref<16x320000xf32, #tpu.memory_space<hbm>>, %arg7: memref<16x20480xf32, #tpu.memory_space<hbm>>, %arg8: memref<1000xi32, #tpu.memory_space<vmem>>, %arg9: memref<1000xi32, #tpu.memory_space<vmem>>, %arg10: memref<1000x16xf32, #tpu.memory_space<vmem>>, %arg11: memref<16x1000xf32, #tpu.memory_space<vmem>>, %arg12: memref<1000xi32, #tpu.memory_space<vmem>>, %arg13: memref<1000xi32, #tpu.memory_space<vmem>>, %arg14: memref<1000x16xf32, #tpu.memory_space<vmem>>, %arg15: memref<16x1000xf32, #tpu.memory_space<vmem>>, %arg16: memref<16x1000xf32, #tpu.memory_space<vmem>>, %arg17: memref<16x1000xf32, #tpu.memory_space<vmem>>, %arg18: memref<10240x16xf32, #tpu.memory_space<vmem_shared>>, %arg19: memref<!tpu.dma_semaphore, #tpu.memory_space<semaphore_mem>>, %arg20: memref<!tpu.dma_semaphore, #tpu.memory_space<semaphore_mem>>, %arg21: memref<!tpu.dma_semaphore, #tpu.memory_space<semaphore_mem>>, %arg22: memref<!tpu.dma_semaphore, #tpu.memory_space<semaphore_mem>>, %arg23: memref<!tpu.dma_semaphore, #tpu.memory_space<semaphore_mem>>, %arg24: memref<!tpu.dma_semaphore, #tpu.memory_space<semaphore_mem>>) attributes {dimension_semantics = [#tpu.dimension_semantics<core_parallel>, #tpu.dimension_semantics<subcore_parallel>], iteration_bounds = array<i64: 2, 16>, scalar_prefetch = 0 : i64, scratch_operands = 17 : i64, tpu.core_type = #tpu.core_type<sc_vector_subcore>, window_params = [{transform_indices = #map}, {transform_indices = #map}, {transform_indices = #map}, {transform_indices = #map}, {transform_indices = #map}, {transform_indices = #map}]} {
    %mul3A = arith.constant 16 : i32
    %mul3A_0 = arith.muli %arg0, %mul3A : i32
    %add3A = arith.addi %mul3A_0, %arg1 : i32
    %mul3A_1 = arith.constant 10000 : i32
    %mul3A_2 = arith.muli %add3A, %mul3A_1 : i32
    %iota3A = tpu.iota {dimensions = array<i32: 0>} : vector<16xi32>
    %scan3A = arith.constant 0 : i32
    %scan3A_3 = arith.constant 0 : i32
    %scan3A_4 = arith.constant 640 : i32
    %scan3A_5 = arith.addi %scan3A_3, %scan3A_4 : i32
    %scan3A_6 = arith.constant 1 : i32
    scf.for %scan3A_115 = %scan3A_3 to %scan3A_5 step %scan3A_6  : i32 {
      %broadcast_in_dim3A = arith.constant 0.000000e+00 : f32
      %broadcast_in_dim3A_116 = vector.broadcast %broadcast_in_dim3A : f32 to vector<16xf32>
      %swap3A = arith.index_cast %scan3A_115 : i32 to index
      %swap3A_117 = arith.constant 0 : index
      %swap3A_118 = tpu.vector_load %arg10[%swap3A, %swap3A_117] {strides = array<i32>} : memref<1000x16xf32, #tpu.memory_space<vmem>>, vector<16xf32>,
      tpu.vector_store %arg10[%swap3A, %swap3A_117], %broadcast_in_dim3A_116 {strides = array<i32>} : memref<1000x16xf32, #tpu.memory_space<vmem>>, vector<16xf32>,
    }
    %scan3A_7 = arith.constant 640 : i32
    %mul3A_8 = arith.constant 640 : i32
    %mul3A_9 = arith.muli %arg1, %mul3A_8 : i32
    "tpu.region"() ({
      %run_scoped3A = tpu.sem_alloc : memref<!tpu.dma_semaphore, #tpu.memory_space<semaphore_mem>>
      %dma_start3A_115 = arith.constant 0 : i32
      %dma_start3A_116 = arith.constant 0 : i32
      %dma_start3A_117 = tpu.memref_slice %arg10[%dma_start3A_115, %dma_start3A_116] : memref<1000x16xf32, #tpu.memory_space<vmem>> -> memref<640x16xf32, #tpu.memory_space<vmem>>
      %dma_start3A_118 = arith.constant 0 : i32
      %dma_start3A_119 = tpu.memref_slice %arg18[%mul3A_9, %dma_start3A_118] : memref<10240x16xf32, #tpu.memory_space<vmem_shared>> -> memref<640x16xf32, #tpu.memory_space<vmem_shared>>
      %dma_start3A_120 = arith.constant 0 : i32
      %dma_start3A_121 = tpu.memref_slice %arg18[%mul3A_9, %dma_start3A_120] : memref<10240x16xf32, #tpu.memory_space<vmem_shared>> -> memref<640x16xf32, #tpu.memory_space<vmem_shared>>
      %dma_start3A_122 = arith.constant 0 : i32
      %dma_start3A_123 = arith.constant 0 : i32
      %dma_start3A_124 = tpu.memref_slice %arg10[%dma_start3A_122, %dma_start3A_123] : memref<1000x16xf32, #tpu.memory_space<vmem>> -> memref<640x16xf32, #tpu.memory_space<vmem>>
      tpu.enqueue_dma source(%dma_start3A_124 : memref<640x16xf32, #tpu.memory_space<vmem>>) target(%dma_start3A_121 : memref<640x16xf32, #tpu.memory_space<vmem_shared>>) target_semaphore(%run_scoped3A : memref<!tpu.dma_semaphore, #tpu.memory_space<semaphore_mem>>)
      %dma_wait3A_125 = arith.constant 0 : i32
      %dma_wait3A_126 = arith.constant 0 : i32
      %dma_wait3A_127 = tpu.memref_slice %arg10[%dma_wait3A_125, %dma_wait3A_126] : memref<1000x16xf32, #tpu.memory_space<vmem>> -> memref<640x16xf32, #tpu.memory_space<vmem>>
      %dma_wait3A_128 = arith.constant 0 : i32
      %dma_wait3A_129 = tpu.memref_slice %arg18[%mul3A_9, %dma_wait3A_128] : memref<10240x16xf32, #tpu.memory_space<vmem_shared>> -> memref<640x16xf32, #tpu.memory_space<vmem_shared>>
      %dma_wait3A_130 = arith.constant 0 : i32
      %dma_wait3A_131 = tpu.memref_slice %arg18[%mul3A_9, %dma_wait3A_130] : memref<10240x16xf32, #tpu.memory_space<vmem_shared>> -> memref<640x16xf32, #tpu.memory_space<vmem_shared>>
      %dma_wait3A_132 = arith.constant 0 : i32
      %dma_wait3A_133 = arith.constant 0 : i32
      %dma_wait3A_134 = tpu.memref_slice %arg10[%dma_wait3A_132, %dma_wait3A_133] : memref<1000x16xf32, #tpu.memory_space<vmem>> -> memref<640x16xf32, #tpu.memory_space<vmem>>
      tpu.wait_dma2 semaphore(%run_scoped3A : memref<!tpu.dma_semaphore, #tpu.memory_space<semaphore_mem>>) src(%dma_wait3A_134 : memref<640x16xf32, #tpu.memory_space<vmem>>) dst(%dma_wait3A_131 : memref<640x16xf32, #tpu.memory_space<vmem_shared>>)
      tpu.yield
    }) : () -> ()
    %barrier3A = arith.constant 0 : index
    tpu.barrier barrier_id(%barrier3A)
    %min3A = arith.constant 0 : i32
    %min3A_10 = arith.constant 9 : i32
    %min3A_11 = arith.minsi %min3A, %min3A_10 : i32
    %mul3A_12 = arith.constant 1000 : i32
    %mul3A_13 = arith.muli %min3A_11, %mul3A_12 : i32
    %add3A_14 = arith.addi %mul3A_2, %mul3A_13 : i32
    %dma_start3A = arith.constant 0 : i32
    %dma_start3A_15 = tpu.memref_slice %arg5[%dma_start3A, %add3A_14] : memref<2x320000xi32, #tpu.memory_space<hbm>> -> memref<1x1000xi32, #tpu.memory_space<hbm>>
    %dma_start3A_16 = tpu.memref_squeeze %dma_start3A_15 : memref<1x1000xi32, #tpu.memory_space<hbm>> -> memref<1000xi32, #tpu.memory_space<hbm>>
    %dma_start3A_17 = tpu.memref_slice %arg5[%dma_start3A, %add3A_14] : memref<2x320000xi32, #tpu.memory_space<hbm>> -> memref<1x1000xi32, #tpu.memory_space<hbm>>
    %dma_start3A_18 = tpu.memref_squeeze %dma_start3A_17 : memref<1x1000xi32, #tpu.memory_space<hbm>> -> memref<1000xi32, #tpu.memory_space<hbm>>
    tpu.enqueue_dma source(%dma_start3A_18 : memref<1000xi32, #tpu.memory_space<hbm>>) target(%arg8 : memref<1000xi32, #tpu.memory_space<vmem>>) target_semaphore(%arg19 : memref<!tpu.dma_semaphore, #tpu.memory_space<semaphore_mem>>)
    %dma_start3A_19 = arith.constant 1 : i32
    %dma_start3A_20 = tpu.memref_slice %arg5[%dma_start3A_19, %add3A_14] : memref<2x320000xi32, #tpu.memory_space<hbm>> -> memref<1x1000xi32, #tpu.memory_space<hbm>>
    %dma_start3A_21 = tpu.memref_squeeze %dma_start3A_20 : memref<1x1000xi32, #tpu.memory_space<hbm>> -> memref<1000xi32, #tpu.memory_space<hbm>>
    %dma_start3A_22 = tpu.memref_slice %arg5[%dma_start3A_19, %add3A_14] : memref<2x320000xi32, #tpu.memory_space<hbm>> -> memref<1x1000xi32, #tpu.memory_space<hbm>>
    %dma_start3A_23 = tpu.memref_squeeze %dma_start3A_22 : memref<1x1000xi32, #tpu.memory_space<hbm>> -> memref<1000xi32, #tpu.memory_space<hbm>>
    tpu.enqueue_dma source(%dma_start3A_23 : memref<1000xi32, #tpu.memory_space<hbm>>) target(%arg9 : memref<1000xi32, #tpu.memory_space<vmem>>) target_semaphore(%arg19 : memref<!tpu.dma_semaphore, #tpu.memory_space<semaphore_mem>>)
    %dma_start3A_24 = arith.constant 0 : i32
    %dma_start3A_25 = tpu.memref_slice %arg4[%dma_start3A_24, %add3A_14] : memref<16x320000xf32, #tpu.memory_space<hbm>> -> memref<16x1000xf32, #tpu.memory_space<hbm>>
    %dma_start3A_26 = arith.constant 0 : i32
    %dma_start3A_27 = tpu.memref_slice %arg4[%dma_start3A_26, %add3A_14] : memref<16x320000xf32, #tpu.memory_space<hbm>> -> memref<16x1000xf32, #tpu.memory_space<hbm>>
    tpu.enqueue_dma source(%dma_start3A_27 : memref<16x1000xf32, #tpu.memory_space<hbm>>) target(%arg11 : memref<16x1000xf32, #tpu.memory_space<vmem>>) target_semaphore(%arg19 : memref<!tpu.dma_semaphore, #tpu.memory_space<semaphore_mem>>)
    %dma_wait3A = arith.constant 0 : i32
    %dma_wait3A_28 = tpu.memref_slice %arg5[%dma_wait3A, %mul3A_2] : memref<2x320000xi32, #tpu.memory_space<hbm>> -> memref<1x1000xi32, #tpu.memory_space<hbm>>
    %dma_wait3A_29 = tpu.memref_squeeze %dma_wait3A_28 : memref<1x1000xi32, #tpu.memory_space<hbm>> -> memref<1000xi32, #tpu.memory_space<hbm>>
    %dma_wait3A_30 = tpu.memref_slice %arg5[%dma_wait3A, %mul3A_2] : memref<2x320000xi32, #tpu.memory_space<hbm>> -> memref<1x1000xi32, #tpu.memory_space<hbm>>
    %dma_wait3A_31 = tpu.memref_squeeze %dma_wait3A_30 : memref<1x1000xi32, #tpu.memory_space<hbm>> -> memref<1000xi32, #tpu.memory_space<hbm>>
    tpu.wait_dma2 semaphore(%arg19 : memref<!tpu.dma_semaphore, #tpu.memory_space<semaphore_mem>>) src(%dma_wait3A_31 : memref<1000xi32, #tpu.memory_space<hbm>>) dst(%arg8 : memref<1000xi32, #tpu.memory_space<vmem>>)
    %dma_wait3A_32 = arith.constant 1 : i32
    %dma_wait3A_33 = tpu.memref_slice %arg5[%dma_wait3A_32, %mul3A_2] : memref<2x320000xi32, #tpu.memory_space<hbm>> -> memref<1x1000xi32, #tpu.memory_space<hbm>>
    %dma_wait3A_34 = tpu.memref_squeeze %dma_wait3A_33 : memref<1x1000xi32, #tpu.memory_space<hbm>> -> memref<1000xi32, #tpu.memory_space<hbm>>
    %dma_wait3A_35 = tpu.memref_slice %arg5[%dma_wait3A_32, %mul3A_2] : memref<2x320000xi32, #tpu.memory_space<hbm>> -> memref<1x1000xi32, #tpu.memory_space<hbm>>
    %dma_wait3A_36 = tpu.memref_squeeze %dma_wait3A_35 : memref<1x1000xi32, #tpu.memory_space<hbm>> -> memref<1000xi32, #tpu.memory_space<hbm>>
    tpu.wait_dma2 semaphore(%arg19 : memref<!tpu.dma_semaphore, #tpu.memory_space<semaphore_mem>>) src(%dma_wait3A_36 : memref<1000xi32, #tpu.memory_space<hbm>>) dst(%arg9 : memref<1000xi32, #tpu.memory_space<vmem>>)
    %dma_wait3A_37 = arith.constant 0 : i32
    %dma_wait3A_38 = tpu.memref_slice %arg4[%dma_wait3A_37, %mul3A_2] : memref<16x320000xf32, #tpu.memory_space<hbm>> -> memref<16x1000xf32, #tpu.memory_space<hbm>>
    %dma_wait3A_39 = arith.constant 0 : i32
    %dma_wait3A_40 = tpu.memref_slice %arg4[%dma_wait3A_39, %mul3A_2] : memref<16x320000xf32, #tpu.memory_space<hbm>> -> memref<16x1000xf32, #tpu.memory_space<hbm>>
    tpu.wait_dma2 semaphore(%arg19 : memref<!tpu.dma_semaphore, #tpu.memory_space<semaphore_mem>>) src(%dma_wait3A_40 : memref<16x1000xf32, #tpu.memory_space<hbm>>) dst(%arg11 : memref<16x1000xf32, #tpu.memory_space<vmem>>)
    %dma_start3A_41 = arith.constant 0 : i32
    %dma_start3A_42 = arith.constant 0 : i32
    %dma_start3A_43 = tpu.memref_slice %arg2[%dma_start3A_41, %dma_start3A_42] : memref<10000x16xf32, #tpu.memory_space<hbm>> -> memref<10000x16xf32, #tpu.memory_space<hbm>>
    tpu.enqueue_indirect_dma source(%dma_start3A_43 : memref<10000x16xf32, #tpu.memory_space<hbm>>) target(%arg10 : memref<1000x16xf32, #tpu.memory_space<vmem>>) offsets(%arg8 : memref<1000xi32, #tpu.memory_space<vmem>>) semaphore(%arg21 : memref<!tpu.dma_semaphore, #tpu.memory_space<semaphore_mem>>)
    %min3A_44 = arith.constant 1 : i32
    %min3A_45 = arith.constant 9 : i32
    %min3A_46 = arith.minsi %min3A_44, %min3A_45 : i32
    %mul3A_47 = arith.constant 1000 : i32
    %mul3A_48 = arith.muli %min3A_46, %mul3A_47 : i32
    %add3A_49 = arith.addi %mul3A_2, %mul3A_48 : i32
    %dma_start3A_50 = arith.constant 0 : i32
    %dma_start3A_51 = tpu.memref_slice %arg5[%dma_start3A_50, %add3A_49] : memref<2x320000xi32, #tpu.memory_space<hbm>> -> memref<1x1000xi32, #tpu.memory_space<hbm>>
    %dma_start3A_52 = tpu.memref_squeeze %dma_start3A_51 : memref<1x1000xi32, #tpu.memory_space<hbm>> -> memref<1000xi32, #tpu.memory_space<hbm>>
    %dma_start3A_53 = tpu.memref_slice %arg5[%dma_start3A_50, %add3A_49] : memref<2x320000xi32, #tpu.memory_space<hbm>> -> memref<1x1000xi32, #tpu.memory_space<hbm>>
    %dma_start3A_54 = tpu.memref_squeeze %dma_start3A_53 : memref<1x1000xi32, #tpu.memory_space<hbm>> -> memref<1000xi32, #tpu.memory_space<hbm>>
    tpu.enqueue_dma source(%dma_start3A_54 : memref<1000xi32, #tpu.memory_space<hbm>>) target(%arg12 : memref<1000xi32, #tpu.memory_space<vmem>>) target_semaphore(%arg20 : memref<!tpu.dma_semaphore, #tpu.memory_space<semaphore_mem>>)
    %dma_start3A_55 = arith.constant 1 : i32
    %dma_start3A_56 = tpu.memref_slice %arg5[%dma_start3A_55, %add3A_49] : memref<2x320000xi32, #tpu.memory_space<hbm>> -> memref<1x1000xi32, #tpu.memory_space<hbm>>
    %dma_start3A_57 = tpu.memref_squeeze %dma_start3A_56 : memref<1x1000xi32, #tpu.memory_space<hbm>> -> memref<1000xi32, #tpu.memory_space<hbm>>
    %dma_start3A_58 = tpu.memref_slice %arg5[%dma_start3A_55, %add3A_49] : memref<2x320000xi32, #tpu.memory_space<hbm>> -> memref<1x1000xi32, #tpu.memory_space<hbm>>
    %dma_start3A_59 = tpu.memref_squeeze %dma_start3A_58 : memref<1x1000xi32, #tpu.memory_space<hbm>> -> memref<1000xi32, #tpu.memory_space<hbm>>
    tpu.enqueue_dma source(%dma_start3A_59 : memref<1000xi32, #tpu.memory_space<hbm>>) target(%arg13 : memref<1000xi32, #tpu.memory_space<vmem>>) target_semaphore(%arg20 : memref<!tpu.dma_semaphore, #tpu.memory_space<semaphore_mem>>)
    %dma_start3A_60 = arith.constant 0 : i32
    %dma_start3A_61 = tpu.memref_slice %arg4[%dma_start3A_60, %add3A_49] : memref<16x320000xf32, #tpu.memory_space<hbm>> -> memref<16x1000xf32, #tpu.memory_space<hbm>>
    %dma_start3A_62 = arith.constant 0 : i32
    %dma_start3A_63 = tpu.memref_slice %arg4[%dma_start3A_62, %add3A_49] : memref<16x320000xf32, #tpu.memory_space<hbm>> -> memref<16x1000xf32, #tpu.memory_space<hbm>>
    tpu.enqueue_dma source(%dma_start3A_63 : memref<16x1000xf32, #tpu.memory_space<hbm>>) target(%arg15 : memref<16x1000xf32, #tpu.memory_space<vmem>>) target_semaphore(%arg20 : memref<!tpu.dma_semaphore, #tpu.memory_space<semaphore_mem>>)
    %dma_wait3A_64 = arith.constant 0 : i32
    %dma_wait3A_65 = arith.constant 0 : i32
    %dma_wait3A_66 = tpu.memref_slice %arg2[%dma_wait3A_64, %dma_wait3A_65] : memref<10000x16xf32, #tpu.memory_space<hbm>> -> memref<10000x16xf32, #tpu.memory_space<hbm>>
    tpu.wait_indirect_dma semaphore(%arg21 : memref<!tpu.dma_semaphore, #tpu.memory_space<semaphore_mem>>) src(%dma_wait3A_66 : memref<10000x16xf32, #tpu.memory_space<hbm>>) dst(%arg10 : memref<1000x16xf32, #tpu.memory_space<vmem>>)
    %dma_start3A_67 = arith.constant 0 : i32
    %dma_start3A_68 = arith.constant 0 : i32
    %dma_start3A_69 = tpu.memref_slice %arg3[%dma_start3A_67, %dma_start3A_68] : memref<10000x16xf32, #tpu.memory_space<hbm>> -> memref<10000x16xf32, #tpu.memory_space<hbm>>
    tpu.enqueue_indirect_dma source(%dma_start3A_69 : memref<10000x16xf32, #tpu.memory_space<hbm>>) target(%arg10 : memref<1000x16xf32, #tpu.memory_space<vmem>>) offsets(%arg9 : memref<1000xi32, #tpu.memory_space<vmem>>) semaphore(%arg21 : memref<!tpu.dma_semaphore, #tpu.memory_space<semaphore_mem>>) {add = true}
    %scan3A_70 = arith.constant 0 : i32
    %scan3A_71 = arith.constant 0 : i32
    %scan3A_72 = arith.constant 5 : i32
    %scan3A_73 = arith.addi %scan3A_71, %scan3A_72 : i32
    %scan3A_74 = arith.constant 1 : i32
    scf.for %scan3A_115 = %scan3A_71 to %scan3A_73 step %scan3A_74  : i32 {
      %ge3A = arith.constant 1 : i32
      %ge3A_116 = arith.cmpi sge, %scan3A_115, %ge3A : i32
      %mul3A_117 = arith.constant 2 : i32
      %mul3A_118 = arith.muli %mul3A_117, %scan3A_115 : i32
      %dma_wait3A_119 = arith.constant 0 : i32
      %dma_wait3A_120 = tpu.memref_slice %arg5[%dma_wait3A_119, %mul3A_2] : memref<2x320000xi32, #tpu.memory_space<hbm>> -> memref<1x1000xi32, #tpu.memory_space<hbm>>
      %dma_wait3A_121 = tpu.memref_squeeze %dma_wait3A_120 : memref<1x1000xi32, #tpu.memory_space<hbm>> -> memref<1000xi32, #tpu.memory_space<hbm>>
      %dma_wait3A_122 = tpu.memref_slice %arg5[%dma_wait3A_119, %mul3A_2] : memref<2x320000xi32, #tpu.memory_space<hbm>> -> memref<1x1000xi32, #tpu.memory_space<hbm>>
      %dma_wait3A_123 = tpu.memref_squeeze %dma_wait3A_122 : memref<1x1000xi32, #tpu.memory_space<hbm>> -> memref<1000xi32, #tpu.memory_space<hbm>>
      tpu.wait_dma2 semaphore(%arg20 : memref<!tpu.dma_semaphore, #tpu.memory_space<semaphore_mem>>) src(%dma_wait3A_123 : memref<1000xi32, #tpu.memory_space<hbm>>) dst(%arg12 : memref<1000xi32, #tpu.memory_space<vmem>>)
      %dma_wait3A_124 = arith.constant 1 : i32
      %dma_wait3A_125 = tpu.memref_slice %arg5[%dma_wait3A_124, %mul3A_2] : memref<2x320000xi32, #tpu.memory_space<hbm>> -> memref<1x1000xi32, #tpu.memory_space<hbm>>
      %dma_wait3A_126 = tpu.memref_squeeze %dma_wait3A_125 : memref<1x1000xi32, #tpu.memory_space<hbm>> -> memref<1000xi32, #tpu.memory_space<hbm>>
      %dma_wait3A_127 = tpu.memref_slice %arg5[%dma_wait3A_124, %mul3A_2] : memref<2x320000xi32, #tpu.memory_space<hbm>> -> memref<1x1000xi32, #tpu.memory_space<hbm>>
      %dma_wait3A_128 = tpu.memref_squeeze %dma_wait3A_127 : memref<1x1000xi32, #tpu.memory_space<hbm>> -> memref<1000xi32, #tpu.memory_space<hbm>>
      tpu.wait_dma2 semaphore(%arg20 : memref<!tpu.dma_semaphore, #tpu.memory_space<semaphore_mem>>) src(%dma_wait3A_128 : memref<1000xi32, #tpu.memory_space<hbm>>) dst(%arg13 : memref<1000xi32, #tpu.memory_space<vmem>>)
      %dma_wait3A_129 = arith.constant 0 : i32
      %dma_wait3A_130 = tpu.memref_slice %arg4[%dma_wait3A_129, %mul3A_2] : memref<16x320000xf32, #tpu.memory_space<hbm>> -> memref<16x1000xf32, #tpu.memory_space<hbm>>
      %dma_wait3A_131 = arith.constant 0 : i32
      %dma_wait3A_132 = tpu.memref_slice %arg4[%dma_wait3A_131, %mul3A_2] : memref<16x320000xf32, #tpu.memory_space<hbm>> -> memref<16x1000xf32, #tpu.memory_space<hbm>>
      tpu.wait_dma2 semaphore(%arg20 : memref<!tpu.dma_semaphore, #tpu.memory_space<semaphore_mem>>) src(%dma_wait3A_132 : memref<16x1000xf32, #tpu.memory_space<hbm>>) dst(%arg15 : memref<16x1000xf32, #tpu.memory_space<vmem>>)
      %dma_start3A_133 = arith.constant 0 : i32
      %dma_start3A_134 = arith.constant 0 : i32
      %dma_start3A_135 = tpu.memref_slice %arg2[%dma_start3A_133, %dma_start3A_134] : memref<10000x16xf32, #tpu.memory_space<hbm>> -> memref<10000x16xf32, #tpu.memory_space<hbm>>
      tpu.enqueue_indirect_dma source(%dma_start3A_135 : memref<10000x16xf32, #tpu.memory_space<hbm>>) target(%arg14 : memref<1000x16xf32, #tpu.memory_space<vmem>>) offsets(%arg12 : memref<1000xi32, #tpu.memory_space<vmem>>) semaphore(%arg22 : memref<!tpu.dma_semaphore, #tpu.memory_space<semaphore_mem>>)
      %dma_wait3A_136 = arith.constant 0 : i32
      %dma_wait3A_137 = arith.constant 0 : i32
      %dma_wait3A_138 = tpu.memref_slice %arg2[%dma_wait3A_136, %dma_wait3A_137] : memref<10000x16xf32, #tpu.memory_space<hbm>> -> memref<10000x16xf32, #tpu.memory_space<hbm>>
      tpu.wait_indirect_dma semaphore(%arg21 : memref<!tpu.dma_semaphore, #tpu.memory_space<semaphore_mem>>) src(%dma_wait3A_138 : memref<10000x16xf32, #tpu.memory_space<hbm>>) dst(%arg10 : memref<1000x16xf32, #tpu.memory_space<vmem>>)
      %convert_element_type3A = arith.extui %ge3A_116 : i1 to i32
      %cond3A = arith.constant 0 : i32
      %cond3A_139 = arith.cmpi ne, %convert_element_type3A, %cond3A : i32
      scf.if %cond3A_139 {
        %dma_wait3A_247 = arith.constant 0 : i32
        %dma_wait3A_248 = tpu.memref_slice %arg6[%dma_wait3A_247, %mul3A_2] : memref<16x320000xf32, #tpu.memory_space<hbm>> -> memref<16x1000xf32, #tpu.memory_space<hbm>>
        %dma_wait3A_249 = arith.constant 0 : i32
        %dma_wait3A_250 = tpu.memref_slice %arg6[%dma_wait3A_249, %mul3A_2] : memref<16x320000xf32, #tpu.memory_space<hbm>> -> memref<16x1000xf32, #tpu.memory_space<hbm>>
        tpu.wait_dma2 semaphore(%arg23 : memref<!tpu.dma_semaphore, #tpu.memory_space<semaphore_mem>>) src(%arg16 : memref<16x1000xf32, #tpu.memory_space<vmem>>) dst(%dma_wait3A_250 : memref<16x1000xf32, #tpu.memory_space<hbm>>)
      } else {
      }
      %scan3A_140 = arith.constant 0 : i32
      %scan3A_141 = arith.constant 0 : i32
      %scan3A_142 = arith.constant 125 : i32
      %scan3A_143 = arith.addi %scan3A_141, %scan3A_142 : i32
      %scan3A_144 = arith.constant 1 : i32
      scf.for %scan3A_247 = %scan3A_141 to %scan3A_143 step %scan3A_144  : i32 {
        %mul3A_248 = arith.constant 8 : i32
        %mul3A_249 = arith.muli %scan3A_247, %mul3A_248 : i32
        %add3A_250 = arith.constant 0 : i32
        %add3A_251 = arith.addi %mul3A_249, %add3A_250 : i32
        %broadcast_in_dim3A = vector.broadcast %add3A_251 : i32 to vector<16xi32>
        %gather3A = tpu.vector_load_idx %arg11[%iota3A, %broadcast_in_dim3A] : memref<16x1000xf32, #tpu.memory_space<vmem>>[vector<16xi32>, vector<16xi32>], vector<16xf32>,
        %get3A = arith.index_cast %add3A_251 : i32 to index
        %get3A_252 = arith.constant 0 : index
        %get3A_253 = tpu.vector_load %arg10[%get3A, %get3A_252] {strides = array<i32>} : memref<1000x16xf32, #tpu.memory_space<vmem>>, vector<16xf32>,
        %add3A_254 = arith.addf %get3A_253, %gather3A : vector<16xf32>
        %max3A = arith.constant 0.000000e+00 : f32
        %max3A_255 = vector.broadcast %max3A : f32 to vector<16xf32>
        %max3A_256 = arith.maximumf %add3A_254, %max3A_255 : vector<16xf32>
        %swap3A = arith.index_cast %add3A_251 : i32 to index
        %swap3A_257 = arith.constant 0 : index
        %swap3A_258 = tpu.vector_load %arg10[%swap3A, %swap3A_257] {strides = array<i32>} : memref<1000x16xf32, #tpu.memory_space<vmem>>, vector<16xf32>,
        tpu.vector_store %arg10[%swap3A, %swap3A_257], %max3A_256 {strides = array<i32>} : memref<1000x16xf32, #tpu.memory_space<vmem>>, vector<16xf32>,
        tpu.vector_store_idx %arg16[%iota3A, %broadcast_in_dim3A], %max3A_256 : memref<16x1000xf32, #tpu.memory_space<vmem>>[vector<16xi32>, vector<16xi32>], vector<16xf32>,
        %mul3A_259 = arith.constant 8 : i32
        %mul3A_260 = arith.muli %scan3A_247, %mul3A_259 : i32
        %add3A_261 = arith.constant 1 : i32
        %add3A_262 = arith.addi %mul3A_260, %add3A_261 : i32
        %broadcast_in_dim3A_263 = vector.broadcast %add3A_262 : i32 to vector<16xi32>
        %gather3A_264 = tpu.vector_load_idx %arg11[%iota3A, %broadcast_in_dim3A_263] : memref<16x1000xf32, #tpu.memory_space<vmem>>[vector<16xi32>, vector<16xi32>], vector<16xf32>,
        %get3A_265 = arith.index_cast %add3A_262 : i32 to index
        %get3A_266 = arith.constant 0 : index
        %get3A_267 = tpu.vector_load %arg10[%get3A_265, %get3A_266] {strides = array<i32>} : memref<1000x16xf32, #tpu.memory_space<vmem>>, vector<16xf32>,
        %add3A_268 = arith.addf %get3A_267, %gather3A_264 : vector<16xf32>
        %max3A_269 = arith.constant 0.000000e+00 : f32
        %max3A_270 = vector.broadcast %max3A_269 : f32 to vector<16xf32>
        %max3A_271 = arith.maximumf %add3A_268, %max3A_270 : vector<16xf32>
        %swap3A_272 = arith.index_cast %add3A_262 : i32 to index
        %swap3A_273 = arith.constant 0 : index
        %swap3A_274 = tpu.vector_load %arg10[%swap3A_272, %swap3A_273] {strides = array<i32>} : memref<1000x16xf32, #tpu.memory_space<vmem>>, vector<16xf32>,
        tpu.vector_store %arg10[%swap3A_272, %swap3A_273], %max3A_271 {strides = array<i32>} : memref<1000x16xf32, #tpu.memory_space<vmem>>, vector<16xf32>,
        tpu.vector_store_idx %arg16[%iota3A, %broadcast_in_dim3A_263], %max3A_271 : memref<16x1000xf32, #tpu.memory_space<vmem>>[vector<16xi32>, vector<16xi32>], vector<16xf32>,
        %mul3A_275 = arith.constant 8 : i32
        %mul3A_276 = arith.muli %scan3A_247, %mul3A_275 : i32
        %add3A_277 = arith.constant 2 : i32
        %add3A_278 = arith.addi %mul3A_276, %add3A_277 : i32
        %broadcast_in_dim3A_279 = vector.broadcast %add3A_278 : i32 to vector<16xi32>
        %gather3A_280 = tpu.vector_load_idx %arg11[%iota3A, %broadcast_in_dim3A_279] : memref<16x1000xf32, #tpu.memory_space<vmem>>[vector<16xi32>, vector<16xi32>], vector<16xf32>,
        %get3A_281 = arith.index_cast %add3A_278 : i32 to index
        %get3A_282 = arith.constant 0 : index
        %get3A_283 = tpu.vector_load %arg10[%get3A_281, %get3A_282] {strides = array<i32>} : memref<1000x16xf32, #tpu.memory_space<vmem>>, vector<16xf32>,
        %add3A_284 = arith.addf %get3A_283, %gather3A_280 : vector<16xf32>
        %max3A_285 = arith.constant 0.000000e+00 : f32
        %max3A_286 = vector.broadcast %max3A_285 : f32 to vector<16xf32>
        %max3A_287 = arith.maximumf %add3A_284, %max3A_286 : vector<16xf32>
        %swap3A_288 = arith.index_cast %add3A_278 : i32 to index
        %swap3A_289 = arith.constant 0 : index
        %swap3A_290 = tpu.vector_load %arg10[%swap3A_288, %swap3A_289] {strides = array<i32>} : memref<1000x16xf32, #tpu.memory_space<vmem>>, vector<16xf32>,
        tpu.vector_store %arg10[%swap3A_288, %swap3A_289], %max3A_287 {strides = array<i32>} : memref<1000x16xf32, #tpu.memory_space<vmem>>, vector<16xf32>,
        tpu.vector_store_idx %arg16[%iota3A, %broadcast_in_dim3A_279], %max3A_287 : memref<16x1000xf32, #tpu.memory_space<vmem>>[vector<16xi32>, vector<16xi32>], vector<16xf32>,
        %mul3A_291 = arith.constant 8 : i32
        %mul3A_292 = arith.muli %scan3A_247, %mul3A_291 : i32
        %add3A_293 = arith.constant 3 : i32
        %add3A_294 = arith.addi %mul3A_292, %add3A_293 : i32
        %broadcast_in_dim3A_295 = vector.broadcast %add3A_294 : i32 to vector<16xi32>
        %gather3A_296 = tpu.vector_load_idx %arg11[%iota3A, %broadcast_in_dim3A_295] : memref<16x1000xf32, #tpu.memory_space<vmem>>[vector<16xi32>, vector<16xi32>], vector<16xf32>,
        %get3A_297 = arith.index_cast %add3A_294 : i32 to index
        %get3A_298 = arith.constant 0 : index
        %get3A_299 = tpu.vector_load %arg10[%get3A_297, %get3A_298] {strides = array<i32>} : memref<1000x16xf32, #tpu.memory_space<vmem>>, vector<16xf32>,
        %add3A_300 = arith.addf %get3A_299, %gather3A_296 : vector<16xf32>
        %max3A_301 = arith.constant 0.000000e+00 : f32
        %max3A_302 = vector.broadcast %max3A_301 : f32 to vector<16xf32>
        %max3A_303 = arith.maximumf %add3A_300, %max3A_302 : vector<16xf32>
        %swap3A_304 = arith.index_cast %add3A_294 : i32 to index
        %swap3A_305 = arith.constant 0 : index
        %swap3A_306 = tpu.vector_load %arg10[%swap3A_304, %swap3A_305] {strides = array<i32>} : memref<1000x16xf32, #tpu.memory_space<vmem>>, vector<16xf32>,
        tpu.vector_store %arg10[%swap3A_304, %swap3A_305], %max3A_303 {strides = array<i32>} : memref<1000x16xf32, #tpu.memory_space<vmem>>, vector<16xf32>,
        tpu.vector_store_idx %arg16[%iota3A, %broadcast_in_dim3A_295], %max3A_303 : memref<16x1000xf32, #tpu.memory_space<vmem>>[vector<16xi32>, vector<16xi32>], vector<16xf32>,
        %mul3A_307 = arith.constant 8 : i32
        %mul3A_308 = arith.muli %scan3A_247, %mul3A_307 : i32
        %add3A_309 = arith.constant 4 : i32
        %add3A_310 = arith.addi %mul3A_308, %add3A_309 : i32
        %broadcast_in_dim3A_311 = vector.broadcast %add3A_310 : i32 to vector<16xi32>
        %gather3A_312 = tpu.vector_load_idx %arg11[%iota3A, %broadcast_in_dim3A_311] : memref<16x1000xf32, #tpu.memory_space<vmem>>[vector<16xi32>, vector<16xi32>], vector<16xf32>,
        %get3A_313 = arith.index_cast %add3A_310 : i32 to index
        %get3A_314 = arith.constant 0 : index
        %get3A_315 = tpu.vector_load %arg10[%get3A_313, %get3A_314] {strides = array<i32>} : memref<1000x16xf32, #tpu.memory_space<vmem>>, vector<16xf32>,
        %add3A_316 = arith.addf %get3A_315, %gather3A_312 : vector<16xf32>
        %max3A_317 = arith.constant 0.000000e+00 : f32
        %max3A_318 = vector.broadcast %max3A_317 : f32 to vector<16xf32>
        %max3A_319 = arith.maximumf %add3A_316, %max3A_318 : vector<16xf32>
        %swap3A_320 = arith.index_cast %add3A_310 : i32 to index
        %swap3A_321 = arith.constant 0 : index
        %swap3A_322 = tpu.vector_load %arg10[%swap3A_320, %swap3A_321] {strides = array<i32>} : memref<1000x16xf32, #tpu.memory_space<vmem>>, vector<16xf32>,
        tpu.vector_store %arg10[%swap3A_320, %swap3A_321], %max3A_319 {strides = array<i32>} : memref<1000x16xf32, #tpu.memory_space<vmem>>, vector<16xf32>,
        tpu.vector_store_idx %arg16[%iota3A, %broadcast_in_dim3A_311], %max3A_319 : memref<16x1000xf32, #tpu.memory_space<vmem>>[vector<16xi32>, vector<16xi32>], vector<16xf32>,
        %mul3A_323 = arith.constant 8 : i32
        %mul3A_324 = arith.muli %scan3A_247, %mul3A_323 : i32
        %add3A_325 = arith.constant 5 : i32
        %add3A_326 = arith.addi %mul3A_324, %add3A_325 : i32
        %broadcast_in_dim3A_327 = vector.broadcast %add3A_326 : i32 to vector<16xi32>
        %gather3A_328 = tpu.vector_load_idx %arg11[%iota3A, %broadcast_in_dim3A_327] : memref<16x1000xf32, #tpu.memory_space<vmem>>[vector<16xi32>, vector<16xi32>], vector<16xf32>,
        %get3A_329 = arith.index_cast %add3A_326 : i32 to index
        %get3A_330 = arith.constant 0 : index
        %get3A_331 = tpu.vector_load %arg10[%get3A_329, %get3A_330] {strides = array<i32>} : memref<1000x16xf32, #tpu.memory_space<vmem>>, vector<16xf32>,
        %add3A_332 = arith.addf %get3A_331, %gather3A_328 : vector<16xf32>
        %max3A_333 = arith.constant 0.000000e+00 : f32
        %max3A_334 = vector.broadcast %max3A_333 : f32 to vector<16xf32>
        %max3A_335 = arith.maximumf %add3A_332, %max3A_334 : vector<16xf32>
        %swap3A_336 = arith.index_cast %add3A_326 : i32 to index
        %swap3A_337 = arith.constant 0 : index
        %swap3A_338 = tpu.vector_load %arg10[%swap3A_336, %swap3A_337] {strides = array<i32>} : memref<1000x16xf32, #tpu.memory_space<vmem>>, vector<16xf32>,
        tpu.vector_store %arg10[%swap3A_336, %swap3A_337], %max3A_335 {strides = array<i32>} : memref<1000x16xf32, #tpu.memory_space<vmem>>, vector<16xf32>,
        tpu.vector_store_idx %arg16[%iota3A, %broadcast_in_dim3A_327], %max3A_335 : memref<16x1000xf32, #tpu.memory_space<vmem>>[vector<16xi32>, vector<16xi32>], vector<16xf32>,
        %mul3A_339 = arith.constant 8 : i32
        %mul3A_340 = arith.muli %scan3A_247, %mul3A_339 : i32
        %add3A_341 = arith.constant 6 : i32
        %add3A_342 = arith.addi %mul3A_340, %add3A_341 : i32
        %broadcast_in_dim3A_343 = vector.broadcast %add3A_342 : i32 to vector<16xi32>
        %gather3A_344 = tpu.vector_load_idx %arg11[%iota3A, %broadcast_in_dim3A_343] : memref<16x1000xf32, #tpu.memory_space<vmem>>[vector<16xi32>, vector<16xi32>], vector<16xf32>,
        %get3A_345 = arith.index_cast %add3A_342 : i32 to index
        %get3A_346 = arith.constant 0 : index
        %get3A_347 = tpu.vector_load %arg10[%get3A_345, %get3A_346] {strides = array<i32>} : memref<1000x16xf32, #tpu.memory_space<vmem>>, vector<16xf32>,
        %add3A_348 = arith.addf %get3A_347, %gather3A_344 : vector<16xf32>
        %max3A_349 = arith.constant 0.000000e+00 : f32
        %max3A_350 = vector.broadcast %max3A_349 : f32 to vector<16xf32>
        %max3A_351 = arith.maximumf %add3A_348, %max3A_350 : vector<16xf32>
        %swap3A_352 = arith.index_cast %add3A_342 : i32 to index
        %swap3A_353 = arith.constant 0 : index
        %swap3A_354 = tpu.vector_load %arg10[%swap3A_352, %swap3A_353] {strides = array<i32>} : memref<1000x16xf32, #tpu.memory_space<vmem>>, vector<16xf32>,
        tpu.vector_store %arg10[%swap3A_352, %swap3A_353], %max3A_351 {strides = array<i32>} : memref<1000x16xf32, #tpu.memory_space<vmem>>, vector<16xf32>,
        tpu.vector_store_idx %arg16[%iota3A, %broadcast_in_dim3A_343], %max3A_351 : memref<16x1000xf32, #tpu.memory_space<vmem>>[vector<16xi32>, vector<16xi32>], vector<16xf32>,
        %mul3A_355 = arith.constant 8 : i32
        %mul3A_356 = arith.muli %scan3A_247, %mul3A_355 : i32
        %add3A_357 = arith.constant 7 : i32
        %add3A_358 = arith.addi %mul3A_356, %add3A_357 : i32
        %broadcast_in_dim3A_359 = vector.broadcast %add3A_358 : i32 to vector<16xi32>
        %gather3A_360 = tpu.vector_load_idx %arg11[%iota3A, %broadcast_in_dim3A_359] : memref<16x1000xf32, #tpu.memory_space<vmem>>[vector<16xi32>, vector<16xi32>], vector<16xf32>,
        %get3A_361 = arith.index_cast %add3A_358 : i32 to index
        %get3A_362 = arith.constant 0 : index
        %get3A_363 = tpu.vector_load %arg10[%get3A_361, %get3A_362] {strides = array<i32>} : memref<1000x16xf32, #tpu.memory_space<vmem>>, vector<16xf32>,
        %add3A_364 = arith.addf %get3A_363, %gather3A_360 : vector<16xf32>
        %max3A_365 = arith.constant 0.000000e+00 : f32
        %max3A_366 = vector.broadcast %max3A_365 : f32 to vector<16xf32>
        %max3A_367 = arith.maximumf %add3A_364, %max3A_366 : vector<16xf32>
        %swap3A_368 = arith.index_cast %add3A_358 : i32 to index
        %swap3A_369 = arith.constant 0 : index
        %swap3A_370 = tpu.vector_load %arg10[%swap3A_368, %swap3A_369] {strides = array<i32>} : memref<1000x16xf32, #tpu.memory_space<vmem>>, vector<16xf32>,
        tpu.vector_store %arg10[%swap3A_368, %swap3A_369], %max3A_367 {strides = array<i32>} : memref<1000x16xf32, #tpu.memory_space<vmem>>, vector<16xf32>,
        tpu.vector_store_idx %arg16[%iota3A, %broadcast_in_dim3A_359], %max3A_367 : memref<16x1000xf32, #tpu.memory_space<vmem>>[vector<16xi32>, vector<16xi32>], vector<16xf32>,
      }
      %scan3A_145 = arith.constant 125 : i32
      %dma_wait3A_146 = arith.constant 0 : i32
      %dma_wait3A_147 = arith.constant 0 : i32
      %dma_wait3A_148 = tpu.memref_slice %arg2[%dma_wait3A_146, %dma_wait3A_147] : memref<10000x16xf32, #tpu.memory_space<hbm>> -> memref<10000x16xf32, #tpu.memory_space<hbm>>
      tpu.wait_indirect_dma semaphore(%arg22 : memref<!tpu.dma_semaphore, #tpu.memory_space<semaphore_mem>>) src(%dma_wait3A_148 : memref<10000x16xf32, #tpu.memory_space<hbm>>) dst(%arg14 : memref<1000x16xf32, #tpu.memory_space<vmem>>)
      %dma_start3A_149 = arith.constant 0 : i32
      %dma_start3A_150 = arith.constant 0 : i32
      %dma_start3A_151 = tpu.memref_slice %arg3[%dma_start3A_149, %dma_start3A_150] : memref<10000x16xf32, #tpu.memory_space<hbm>> -> memref<10000x16xf32, #tpu.memory_space<hbm>>
      tpu.enqueue_indirect_dma source(%dma_start3A_151 : memref<10000x16xf32, #tpu.memory_space<hbm>>) target(%arg14 : memref<1000x16xf32, #tpu.memory_space<vmem>>) offsets(%arg13 : memref<1000xi32, #tpu.memory_space<vmem>>) semaphore(%arg22 : memref<!tpu.dma_semaphore, #tpu.memory_space<semaphore_mem>>) {add = true}
      %mul3A_152 = arith.constant 1000 : i32
      %mul3A_153 = arith.muli %mul3A_118, %mul3A_152 : i32
      %add3A_154 = arith.addi %mul3A_2, %mul3A_153 : i32
      %dma_start3A_155 = arith.constant 0 : i32
      %dma_start3A_156 = tpu.memref_slice %arg6[%dma_start3A_155, %add3A_154] : memref<16x320000xf32, #tpu.memory_space<hbm>> -> memref<16x1000xf32, #tpu.memory_space<hbm>>
      %dma_start3A_157 = arith.constant 0 : i32
      %dma_start3A_158 = tpu.memref_slice %arg6[%dma_start3A_157, %add3A_154] : memref<16x320000xf32, #tpu.memory_space<hbm>> -> memref<16x1000xf32, #tpu.memory_space<hbm>>
      tpu.enqueue_dma source(%arg16 : memref<16x1000xf32, #tpu.memory_space<vmem>>) target(%dma_start3A_158 : memref<16x1000xf32, #tpu.memory_space<hbm>>) target_semaphore(%arg23 : memref<!tpu.dma_semaphore, #tpu.memory_space<semaphore_mem>>)
      "tpu.region"() ({
        %run_scoped3A = tpu.sem_alloc : memref<!tpu.dma_semaphore, #tpu.memory_space<semaphore_mem>>
        %dma_start3A_247 = arith.constant 0 : i32
        %dma_start3A_248 = arith.constant 0 : i32
        %dma_start3A_249 = tpu.memref_slice %arg18[%dma_start3A_247, %dma_start3A_248] : memref<10240x16xf32, #tpu.memory_space<vmem_shared>> -> memref<10240x16xf32, #tpu.memory_space<vmem_shared>>
        tpu.enqueue_indirect_dma source(%arg10 : memref<1000x16xf32, #tpu.memory_space<vmem>>) target(%dma_start3A_249 : memref<10240x16xf32, #tpu.memory_space<vmem_shared>>) offsets(%arg9 : memref<1000xi32, #tpu.memory_space<vmem>>) semaphore(%run_scoped3A : memref<!tpu.dma_semaphore, #tpu.memory_space<semaphore_mem>>) {add = true}
        %dma_wait3A_250 = arith.constant 0 : i32
        %dma_wait3A_251 = arith.constant 0 : i32
        %dma_wait3A_252 = tpu.memref_slice %arg18[%dma_wait3A_250, %dma_wait3A_251] : memref<10240x16xf32, #tpu.memory_space<vmem_shared>> -> memref<10240x16xf32, #tpu.memory_space<vmem_shared>>
        tpu.wait_indirect_dma semaphore(%run_scoped3A : memref<!tpu.dma_semaphore, #tpu.memory_space<semaphore_mem>>) src(%arg10 : memref<1000x16xf32, #tpu.memory_space<vmem>>) dst(%dma_wait3A_252 : memref<10240x16xf32, #tpu.memory_space<vmem_shared>>)
        tpu.yield
      }) : () -> ()
      %add3A_159 = arith.constant 2 : i32
      %add3A_160 = arith.addi %mul3A_118, %add3A_159 : i32
      %min3A_161 = arith.constant 9 : i32
      %min3A_162 = arith.minsi %add3A_160, %min3A_161 : i32
      %mul3A_163 = arith.constant 1000 : i32
      %mul3A_164 = arith.muli %min3A_162, %mul3A_163 : i32
      %add3A_165 = arith.addi %mul3A_2, %mul3A_164 : i32
      %dma_start3A_166 = arith.constant 0 : i32
      %dma_start3A_167 = tpu.memref_slice %arg5[%dma_start3A_166, %add3A_165] : memref<2x320000xi32, #tpu.memory_space<hbm>> -> memref<1x1000xi32, #tpu.memory_space<hbm>>
      %dma_start3A_168 = tpu.memref_squeeze %dma_start3A_167 : memref<1x1000xi32, #tpu.memory_space<hbm>> -> memref<1000xi32, #tpu.memory_space<hbm>>
      %dma_start3A_169 = tpu.memref_slice %arg5[%dma_start3A_166, %add3A_165] : memref<2x320000xi32, #tpu.memory_space<hbm>> -> memref<1x1000xi32, #tpu.memory_space<hbm>>
      %dma_start3A_170 = tpu.memref_squeeze %dma_start3A_169 : memref<1x1000xi32, #tpu.memory_space<hbm>> -> memref<1000xi32, #tpu.memory_space<hbm>>
      tpu.enqueue_dma source(%dma_start3A_170 : memref<1000xi32, #tpu.memory_space<hbm>>) target(%arg8 : memref<1000xi32, #tpu.memory_space<vmem>>) target_semaphore(%arg19 : memref<!tpu.dma_semaphore, #tpu.memory_space<semaphore_mem>>)
      %dma_start3A_171 = arith.constant 1 : i32
      %dma_start3A_172 = tpu.memref_slice %arg5[%dma_start3A_171, %add3A_165] : memref<2x320000xi32, #tpu.memory_space<hbm>> -> memref<1x1000xi32, #tpu.memory_space<hbm>>
      %dma_start3A_173 = tpu.memref_squeeze %dma_start3A_172 : memref<1x1000xi32, #tpu.memory_space<hbm>> -> memref<1000xi32, #tpu.memory_space<hbm>>
      %dma_start3A_174 = tpu.memref_slice %arg5[%dma_start3A_171, %add3A_165] : memref<2x320000xi32, #tpu.memory_space<hbm>> -> memref<1x1000xi32, #tpu.memory_space<hbm>>
      %dma_start3A_175 = tpu.memref_squeeze %dma_start3A_174 : memref<1x1000xi32, #tpu.memory_space<hbm>> -> memref<1000xi32, #tpu.memory_space<hbm>>
      tpu.enqueue_dma source(%dma_start3A_175 : memref<1000xi32, #tpu.memory_space<hbm>>) target(%arg9 : memref<1000xi32, #tpu.memory_space<vmem>>) target_semaphore(%arg19 : memref<!tpu.dma_semaphore, #tpu.memory_space<semaphore_mem>>)
      %dma_start3A_176 = arith.constant 0 : i32
      %dma_start3A_177 = tpu.memref_slice %arg4[%dma_start3A_176, %add3A_165] : memref<16x320000xf32, #tpu.memory_space<hbm>> -> memref<16x1000xf32, #tpu.memory_space<hbm>>
      %dma_start3A_178 = arith.constant 0 : i32
      %dma_start3A_179 = tpu.memref_slice %arg4[%dma_start3A_178, %add3A_165] : memref<16x320000xf32, #tpu.memory_space<hbm>> -> memref<16x1000xf32, #tpu.memory_space<hbm>>
      tpu.enqueue_dma source(%dma_start3A_179 : memref<16x1000xf32, #tpu.memory_space<hbm>>) target(%arg11 : memref<16x1000xf32, #tpu.memory_space<vmem>>) target_semaphore(%arg19 : memref<!tpu.dma_semaphore, #tpu.memory_space<semaphore_mem>>)
      %mul3A_180 = arith.constant 2 : i32
      %mul3A_181 = arith.muli %mul3A_180, %scan3A_115 : i32
      %add3A_182 = arith.constant 1 : i32
      %add3A_183 = arith.addi %mul3A_181, %add3A_182 : i32
      %dma_wait3A_184 = arith.constant 0 : i32
      %dma_wait3A_185 = tpu.memref_slice %arg5[%dma_wait3A_184, %mul3A_2] : memref<2x320000xi32, #tpu.memory_space<hbm>> -> memref<1x1000xi32, #tpu.memory_space<hbm>>
      %dma_wait3A_186 = tpu.memref_squeeze %dma_wait3A_185 : memref<1x1000xi32, #tpu.memory_space<hbm>> -> memref<1000xi32, #tpu.memory_space<hbm>>
      %dma_wait3A_187 = tpu.memref_slice %arg5[%dma_wait3A_184, %mul3A_2] : memref<2x320000xi32, #tpu.memory_space<hbm>> -> memref<1x1000xi32, #tpu.memory_space<hbm>>
      %dma_wait3A_188 = tpu.memref_squeeze %dma_wait3A_187 : memref<1x1000xi32, #tpu.memory_space<hbm>> -> memref<1000xi32, #tpu.memory_space<hbm>>
      tpu.wait_dma2 semaphore(%arg19 : memref<!tpu.dma_semaphore, #tpu.memory_space<semaphore_mem>>) src(%dma_wait3A_188 : memref<1000xi32, #tpu.memory_space<hbm>>) dst(%arg8 : memref<1000xi32, #tpu.memory_space<vmem>>)
      %dma_wait3A_189 = arith.constant 1 : i32
      %dma_wait3A_190 = tpu.memref_slice %arg5[%dma_wait3A_189, %mul3A_2] : memref<2x320000xi32, #tpu.memory_space<hbm>> -> memref<1x1000xi32, #tpu.memory_space<hbm>>
      %dma_wait3A_191 = tpu.memref_squeeze %dma_wait3A_190 : memref<1x1000xi32, #tpu.memory_space<hbm>> -> memref<1000xi32, #tpu.memory_space<hbm>>
      %dma_wait3A_192 = tpu.memref_slice %arg5[%dma_wait3A_189, %mul3A_2] : memref<2x320000xi32, #tpu.memory_space<hbm>> -> memref<1x1000xi32, #tpu.memory_space<hbm>>
      %dma_wait3A_193 = tpu.memref_squeeze %dma_wait3A_192 : memref<1x1000xi32, #tpu.memory_space<hbm>> -> memref<1000xi32, #tpu.memory_space<hbm>>
      tpu.wait_dma2 semaphore(%arg19 : memref<!tpu.dma_semaphore, #tpu.memory_space<semaphore_mem>>) src(%dma_wait3A_193 : memref<1000xi32, #tpu.memory_space<hbm>>) dst(%arg9 : memref<1000xi32, #tpu.memory_space<vmem>>)
      %dma_wait3A_194 = arith.constant 0 : i32
      %dma_wait3A_195 = tpu.memref_slice %arg4[%dma_wait3A_194, %mul3A_2] : memref<16x320000xf32, #tpu.memory_space<hbm>> -> memref<16x1000xf32, #tpu.memory_space<hbm>>
      %dma_wait3A_196 = arith.constant 0 : i32
      %dma_wait3A_197 = tpu.memref_slice %arg4[%dma_wait3A_196, %mul3A_2] : memref<16x320000xf32, #tpu.memory_space<hbm>> -> memref<16x1000xf32, #tpu.memory_space<hbm>>
      tpu.wait_dma2 semaphore(%arg19 : memref<!tpu.dma_semaphore, #tpu.memory_space<semaphore_mem>>) src(%dma_wait3A_197 : memref<16x1000xf32, #tpu.memory_space<hbm>>) dst(%arg11 : memref<16x1000xf32, #tpu.memory_space<vmem>>)
      %dma_start3A_198 = arith.constant 0 : i32
      %dma_start3A_199 = arith.constant 0 : i32
      %dma_start3A_200 = tpu.memref_slice %arg2[%dma_start3A_198, %dma_start3A_199] : memref<10000x16xf32, #tpu.memory_space<hbm>> -> memref<10000x16xf32, #tpu.memory_space<hbm>>
      tpu.enqueue_indirect_dma source(%dma_start3A_200 : memref<10000x16xf32, #tpu.memory_space<hbm>>) target(%arg10 : memref<1000x16xf32, #tpu.memory_space<vmem>>) offsets(%arg8 : memref<1000xi32, #tpu.memory_space<vmem>>) semaphore(%arg21 : memref<!tpu.dma_semaphore, #tpu.memory_space<semaphore_mem>>)
      %dma_wait3A_201 = arith.constant 0 : i32
      %dma_wait3A_202 = arith.constant 0 : i32
      %dma_wait3A_203 = tpu.memref_slice %arg2[%dma_wait3A_201, %dma_wait3A_202] : memref<10000x16xf32, #tpu.memory_space<hbm>> -> memref<10000x16xf32, #tpu.memory_space<hbm>>
      tpu.wait_indirect_dma semaphore(%arg22 : memref<!tpu.dma_semaphore, #tpu.memory_space<semaphore_mem>>) src(%dma_wait3A_203 : memref<10000x16xf32, #tpu.memory_space<hbm>>) dst(%arg14 : memref<1000x16xf32, #tpu.memory_space<vmem>>)
      %convert_element_type3A_204 = arith.extui %ge3A_116 : i1 to i32
      %cond3A_205 = arith.constant 0 : i32
      %cond3A_206 = arith.cmpi ne, %convert_element_type3A_204, %cond3A_205 : i32
      scf.if %cond3A_206 {
        %dma_wait3A_247 = arith.constant 0 : i32
        %dma_wait3A_248 = tpu.memref_slice %arg6[%dma_wait3A_247, %mul3A_2] : memref<16x320000xf32, #tpu.memory_space<hbm>> -> memref<16x1000xf32, #tpu.memory_space<hbm>>
        %dma_wait3A_249 = arith.constant 0 : i32
        %dma_wait3A_250 = tpu.memref_slice %arg6[%dma_wait3A_249, %mul3A_2] : memref<16x320000xf32, #tpu.memory_space<hbm>> -> memref<16x1000xf32, #tpu.memory_space<hbm>>
        tpu.wait_dma2 semaphore(%arg24 : memref<!tpu.dma_semaphore, #tpu.memory_space<semaphore_mem>>) src(%arg17 : memref<16x1000xf32, #tpu.memory_space<vmem>>) dst(%dma_wait3A_250 : memref<16x1000xf32, #tpu.memory_space<hbm>>)
      } else {
      }
      %scan3A_207 = arith.constant 0 : i32
      %scan3A_208 = arith.constant 0 : i32
      %scan3A_209 = arith.constant 125 : i32
      %scan3A_210 = arith.addi %scan3A_208, %scan3A_209 : i32
      %scan3A_211 = arith.constant 1 : i32
      scf.for %scan3A_247 = %scan3A_208 to %scan3A_210 step %scan3A_211  : i32 {
        %mul3A_248 = arith.constant 8 : i32
        %mul3A_249 = arith.muli %scan3A_247, %mul3A_248 : i32
        %add3A_250 = arith.constant 0 : i32
        %add3A_251 = arith.addi %mul3A_249, %add3A_250 : i32
        %broadcast_in_dim3A = vector.broadcast %add3A_251 : i32 to vector<16xi32>
        %gather3A = tpu.vector_load_idx %arg15[%iota3A, %broadcast_in_dim3A] : memref<16x1000xf32, #tpu.memory_space<vmem>>[vector<16xi32>, vector<16xi32>], vector<16xf32>,
        %get3A = arith.index_cast %add3A_251 : i32 to index
        %get3A_252 = arith.constant 0 : index
        %get3A_253 = tpu.vector_load %arg14[%get3A, %get3A_252] {strides = array<i32>} : memref<1000x16xf32, #tpu.memory_space<vmem>>, vector<16xf32>,
        %add3A_254 = arith.addf %get3A_253, %gather3A : vector<16xf32>
        %max3A = arith.constant 0.000000e+00 : f32
        %max3A_255 = vector.broadcast %max3A : f32 to vector<16xf32>
        %max3A_256 = arith.maximumf %add3A_254, %max3A_255 : vector<16xf32>
        %swap3A = arith.index_cast %add3A_251 : i32 to index
        %swap3A_257 = arith.constant 0 : index
        %swap3A_258 = tpu.vector_load %arg14[%swap3A, %swap3A_257] {strides = array<i32>} : memref<1000x16xf32, #tpu.memory_space<vmem>>, vector<16xf32>,
        tpu.vector_store %arg14[%swap3A, %swap3A_257], %max3A_256 {strides = array<i32>} : memref<1000x16xf32, #tpu.memory_space<vmem>>, vector<16xf32>,
        tpu.vector_store_idx %arg17[%iota3A, %broadcast_in_dim3A], %max3A_256 : memref<16x1000xf32, #tpu.memory_space<vmem>>[vector<16xi32>, vector<16xi32>], vector<16xf32>,
        %mul3A_259 = arith.constant 8 : i32
        %mul3A_260 = arith.muli %scan3A_247, %mul3A_259 : i32
        %add3A_261 = arith.constant 1 : i32
        %add3A_262 = arith.addi %mul3A_260, %add3A_261 : i32
        %broadcast_in_dim3A_263 = vector.broadcast %add3A_262 : i32 to vector<16xi32>
        %gather3A_264 = tpu.vector_load_idx %arg15[%iota3A, %broadcast_in_dim3A_263] : memref<16x1000xf32, #tpu.memory_space<vmem>>[vector<16xi32>, vector<16xi32>], vector<16xf32>,
        %get3A_265 = arith.index_cast %add3A_262 : i32 to index
        %get3A_266 = arith.constant 0 : index
        %get3A_267 = tpu.vector_load %arg14[%get3A_265, %get3A_266] {strides = array<i32>} : memref<1000x16xf32, #tpu.memory_space<vmem>>, vector<16xf32>,
        %add3A_268 = arith.addf %get3A_267, %gather3A_264 : vector<16xf32>
        %max3A_269 = arith.constant 0.000000e+00 : f32
        %max3A_270 = vector.broadcast %max3A_269 : f32 to vector<16xf32>
        %max3A_271 = arith.maximumf %add3A_268, %max3A_270 : vector<16xf32>
        %swap3A_272 = arith.index_cast %add3A_262 : i32 to index
        %swap3A_273 = arith.constant 0 : index
        %swap3A_274 = tpu.vector_load %arg14[%swap3A_272, %swap3A_273] {strides = array<i32>} : memref<1000x16xf32, #tpu.memory_space<vmem>>, vector<16xf32>,
        tpu.vector_store %arg14[%swap3A_272, %swap3A_273], %max3A_271 {strides = array<i32>} : memref<1000x16xf32, #tpu.memory_space<vmem>>, vector<16xf32>,
        tpu.vector_store_idx %arg17[%iota3A, %broadcast_in_dim3A_263], %max3A_271 : memref<16x1000xf32, #tpu.memory_space<vmem>>[vector<16xi32>, vector<16xi32>], vector<16xf32>,
        %mul3A_275 = arith.constant 8 : i32
        %mul3A_276 = arith.muli %scan3A_247, %mul3A_275 : i32
        %add3A_277 = arith.constant 2 : i32
        %add3A_278 = arith.addi %mul3A_276, %add3A_277 : i32
        %broadcast_in_dim3A_279 = vector.broadcast %add3A_278 : i32 to vector<16xi32>
        %gather3A_280 = tpu.vector_load_idx %arg15[%iota3A, %broadcast_in_dim3A_279] : memref<16x1000xf32, #tpu.memory_space<vmem>>[vector<16xi32>, vector<16xi32>], vector<16xf32>,
        %get3A_281 = arith.index_cast %add3A_278 : i32 to index
        %get3A_282 = arith.constant 0 : index
        %get3A_283 = tpu.vector_load %arg14[%get3A_281, %get3A_282] {strides = array<i32>} : memref<1000x16xf32, #tpu.memory_space<vmem>>, vector<16xf32>,
        %add3A_284 = arith.addf %get3A_283, %gather3A_280 : vector<16xf32>
        %max3A_285 = arith.constant 0.000000e+00 : f32
        %max3A_286 = vector.broadcast %max3A_285 : f32 to vector<16xf32>
        %max3A_287 = arith.maximumf %add3A_284, %max3A_286 : vector<16xf32>
        %swap3A_288 = arith.index_cast %add3A_278 : i32 to index
        %swap3A_289 = arith.constant 0 : index
        %swap3A_290 = tpu.vector_load %arg14[%swap3A_288, %swap3A_289] {strides = array<i32>} : memref<1000x16xf32, #tpu.memory_space<vmem>>, vector<16xf32>,
        tpu.vector_store %arg14[%swap3A_288, %swap3A_289], %max3A_287 {strides = array<i32>} : memref<1000x16xf32, #tpu.memory_space<vmem>>, vector<16xf32>,
        tpu.vector_store_idx %arg17[%iota3A, %broadcast_in_dim3A_279], %max3A_287 : memref<16x1000xf32, #tpu.memory_space<vmem>>[vector<16xi32>, vector<16xi32>], vector<16xf32>,
        %mul3A_291 = arith.constant 8 : i32
        %mul3A_292 = arith.muli %scan3A_247, %mul3A_291 : i32
        %add3A_293 = arith.constant 3 : i32
        %add3A_294 = arith.addi %mul3A_292, %add3A_293 : i32
        %broadcast_in_dim3A_295 = vector.broadcast %add3A_294 : i32 to vector<16xi32>
        %gather3A_296 = tpu.vector_load_idx %arg15[%iota3A, %broadcast_in_dim3A_295] : memref<16x1000xf32, #tpu.memory_space<vmem>>[vector<16xi32>, vector<16xi32>], vector<16xf32>,
        %get3A_297 = arith.index_cast %add3A_294 : i32 to index
        %get3A_298 = arith.constant 0 : index
        %get3A_299 = tpu.vector_load %arg14[%get3A_297, %get3A_298] {strides = array<i32>} : memref<1000x16xf32, #tpu.memory_space<vmem>>, vector<16xf32>,
        %add3A_300 = arith.addf %get3A_299, %gather3A_296 : vector<16xf32>
        %max3A_301 = arith.constant 0.000000e+00 : f32
        %max3A_302 = vector.broadcast %max3A_301 : f32 to vector<16xf32>
        %max3A_303 = arith.maximumf %add3A_300, %max3A_302 : vector<16xf32>
        %swap3A_304 = arith.index_cast %add3A_294 : i32 to index
        %swap3A_305 = arith.constant 0 : index
        %swap3A_306 = tpu.vector_load %arg14[%swap3A_304, %swap3A_305] {strides = array<i32>} : memref<1000x16xf32, #tpu.memory_space<vmem>>, vector<16xf32>,
        tpu.vector_store %arg14[%swap3A_304, %swap3A_305], %max3A_303 {strides = array<i32>} : memref<1000x16xf32, #tpu.memory_space<vmem>>, vector<16xf32>,
        tpu.vector_store_idx %arg17[%iota3A, %broadcast_in_dim3A_295], %max3A_303 : memref<16x1000xf32, #tpu.memory_space<vmem>>[vector<16xi32>, vector<16xi32>], vector<16xf32>,
        %mul3A_307 = arith.constant 8 : i32
        %mul3A_308 = arith.muli %scan3A_247, %mul3A_307 : i32
        %add3A_309 = arith.constant 4 : i32
        %add3A_310 = arith.addi %mul3A_308, %add3A_309 : i32
        %broadcast_in_dim3A_311 = vector.broadcast %add3A_310 : i32 to vector<16xi32>
        %gather3A_312 = tpu.vector_load_idx %arg15[%iota3A, %broadcast_in_dim3A_311] : memref<16x1000xf32, #tpu.memory_space<vmem>>[vector<16xi32>, vector<16xi32>], vector<16xf32>,
        %get3A_313 = arith.index_cast %add3A_310 : i32 to index
        %get3A_314 = arith.constant 0 : index
        %get3A_315 = tpu.vector_load %arg14[%get3A_313, %get3A_314] {strides = array<i32>} : memref<1000x16xf32, #tpu.memory_space<vmem>>, vector<16xf32>,
        %add3A_316 = arith.addf %get3A_315, %gather3A_312 : vector<16xf32>
        %max3A_317 = arith.constant 0.000000e+00 : f32
        %max3A_318 = vector.broadcast %max3A_317 : f32 to vector<16xf32>
        %max3A_319 = arith.maximumf %add3A_316, %max3A_318 : vector<16xf32>
        %swap3A_320 = arith.index_cast %add3A_310 : i32 to index
        %swap3A_321 = arith.constant 0 : index
        %swap3A_322 = tpu.vector_load %arg14[%swap3A_320, %swap3A_321] {strides = array<i32>} : memref<1000x16xf32, #tpu.memory_space<vmem>>, vector<16xf32>,
        tpu.vector_store %arg14[%swap3A_320, %swap3A_321], %max3A_319 {strides = array<i32>} : memref<1000x16xf32, #tpu.memory_space<vmem>>, vector<16xf32>,
        tpu.vector_store_idx %arg17[%iota3A, %broadcast_in_dim3A_311], %max3A_319 : memref<16x1000xf32, #tpu.memory_space<vmem>>[vector<16xi32>, vector<16xi32>], vector<16xf32>,
        %mul3A_323 = arith.constant 8 : i32
        %mul3A_324 = arith.muli %scan3A_247, %mul3A_323 : i32
        %add3A_325 = arith.constant 5 : i32
        %add3A_326 = arith.addi %mul3A_324, %add3A_325 : i32
        %broadcast_in_dim3A_327 = vector.broadcast %add3A_326 : i32 to vector<16xi32>
        %gather3A_328 = tpu.vector_load_idx %arg15[%iota3A, %broadcast_in_dim3A_327] : memref<16x1000xf32, #tpu.memory_space<vmem>>[vector<16xi32>, vector<16xi32>], vector<16xf32>,
        %get3A_329 = arith.index_cast %add3A_326 : i32 to index
        %get3A_330 = arith.constant 0 : index
        %get3A_331 = tpu.vector_load %arg14[%get3A_329, %get3A_330] {strides = array<i32>} : memref<1000x16xf32, #tpu.memory_space<vmem>>, vector<16xf32>,
        %add3A_332 = arith.addf %get3A_331, %gather3A_328 : vector<16xf32>
        %max3A_333 = arith.constant 0.000000e+00 : f32
        %max3A_334 = vector.broadcast %max3A_333 : f32 to vector<16xf32>
        %max3A_335 = arith.maximumf %add3A_332, %max3A_334 : vector<16xf32>
        %swap3A_336 = arith.index_cast %add3A_326 : i32 to index
        %swap3A_337 = arith.constant 0 : index
        %swap3A_338 = tpu.vector_load %arg14[%swap3A_336, %swap3A_337] {strides = array<i32>} : memref<1000x16xf32, #tpu.memory_space<vmem>>, vector<16xf32>,
        tpu.vector_store %arg14[%swap3A_336, %swap3A_337], %max3A_335 {strides = array<i32>} : memref<1000x16xf32, #tpu.memory_space<vmem>>, vector<16xf32>,
        tpu.vector_store_idx %arg17[%iota3A, %broadcast_in_dim3A_327], %max3A_335 : memref<16x1000xf32, #tpu.memory_space<vmem>>[vector<16xi32>, vector<16xi32>], vector<16xf32>,
        %mul3A_339 = arith.constant 8 : i32
        %mul3A_340 = arith.muli %scan3A_247, %mul3A_339 : i32
        %add3A_341 = arith.constant 6 : i32
        %add3A_342 = arith.addi %mul3A_340, %add3A_341 : i32
        %broadcast_in_dim3A_343 = vector.broadcast %add3A_342 : i32 to vector<16xi32>
        %gather3A_344 = tpu.vector_load_idx %arg15[%iota3A, %broadcast_in_dim3A_343] : memref<16x1000xf32, #tpu.memory_space<vmem>>[vector<16xi32>, vector<16xi32>], vector<16xf32>,
        %get3A_345 = arith.index_cast %add3A_342 : i32 to index
        %get3A_346 = arith.constant 0 : index
        %get3A_347 = tpu.vector_load %arg14[%get3A_345, %get3A_346] {strides = array<i32>} : memref<1000x16xf32, #tpu.memory_space<vmem>>, vector<16xf32>,
        %add3A_348 = arith.addf %get3A_347, %gather3A_344 : vector<16xf32>
        %max3A_349 = arith.constant 0.000000e+00 : f32
        %max3A_350 = vector.broadcast %max3A_349 : f32 to vector<16xf32>
        %max3A_351 = arith.maximumf %add3A_348, %max3A_350 : vector<16xf32>
        %swap3A_352 = arith.index_cast %add3A_342 : i32 to index
        %swap3A_353 = arith.constant 0 : index
        %swap3A_354 = tpu.vector_load %arg14[%swap3A_352, %swap3A_353] {strides = array<i32>} : memref<1000x16xf32, #tpu.memory_space<vmem>>, vector<16xf32>,
        tpu.vector_store %arg14[%swap3A_352, %swap3A_353], %max3A_351 {strides = array<i32>} : memref<1000x16xf32, #tpu.memory_space<vmem>>, vector<16xf32>,
        tpu.vector_store_idx %arg17[%iota3A, %broadcast_in_dim3A_343], %max3A_351 : memref<16x1000xf32, #tpu.memory_space<vmem>>[vector<16xi32>, vector<16xi32>], vector<16xf32>,
        %mul3A_355 = arith.constant 8 : i32
        %mul3A_356 = arith.muli %scan3A_247, %mul3A_355 : i32
        %add3A_357 = arith.constant 7 : i32
        %add3A_358 = arith.addi %mul3A_356, %add3A_357 : i32
        %broadcast_in_dim3A_359 = vector.broadcast %add3A_358 : i32 to vector<16xi32>
        %gather3A_360 = tpu.vector_load_idx %arg15[%iota3A, %broadcast_in_dim3A_359] : memref<16x1000xf32, #tpu.memory_space<vmem>>[vector<16xi32>, vector<16xi32>], vector<16xf32>,
        %get3A_361 = arith.index_cast %add3A_358 : i32 to index
        %get3A_362 = arith.constant 0 : index
        %get3A_363 = tpu.vector_load %arg14[%get3A_361, %get3A_362] {strides = array<i32>} : memref<1000x16xf32, #tpu.memory_space<vmem>>, vector<16xf32>,
        %add3A_364 = arith.addf %get3A_363, %gather3A_360 : vector<16xf32>
        %max3A_365 = arith.constant 0.000000e+00 : f32
        %max3A_366 = vector.broadcast %max3A_365 : f32 to vector<16xf32>
        %max3A_367 = arith.maximumf %add3A_364, %max3A_366 : vector<16xf32>
        %swap3A_368 = arith.index_cast %add3A_358 : i32 to index
        %swap3A_369 = arith.constant 0 : index
        %swap3A_370 = tpu.vector_load %arg14[%swap3A_368, %swap3A_369] {strides = array<i32>} : memref<1000x16xf32, #tpu.memory_space<vmem>>, vector<16xf32>,
        tpu.vector_store %arg14[%swap3A_368, %swap3A_369], %max3A_367 {strides = array<i32>} : memref<1000x16xf32, #tpu.memory_space<vmem>>, vector<16xf32>,
        tpu.vector_store_idx %arg17[%iota3A, %broadcast_in_dim3A_359], %max3A_367 : memref<16x1000xf32, #tpu.memory_space<vmem>>[vector<16xi32>, vector<16xi32>], vector<16xf32>,
      }
      %scan3A_212 = arith.constant 125 : i32
      %dma_wait3A_213 = arith.constant 0 : i32
      %dma_wait3A_214 = arith.constant 0 : i32
      %dma_wait3A_215 = tpu.memref_slice %arg2[%dma_wait3A_213, %dma_wait3A_214] : memref<10000x16xf32, #tpu.memory_space<hbm>> -> memref<10000x16xf32, #tpu.memory_space<hbm>>
      tpu.wait_indirect_dma semaphore(%arg21 : memref<!tpu.dma_semaphore, #tpu.memory_space<semaphore_mem>>) src(%dma_wait3A_215 : memref<10000x16xf32, #tpu.memory_space<hbm>>) dst(%arg10 : memref<1000x16xf32, #tpu.memory_space<vmem>>)
      %dma_start3A_216 = arith.constant 0 : i32
      %dma_start3A_217 = arith.constant 0 : i32
      %dma_start3A_218 = tpu.memref_slice %arg3[%dma_start3A_216, %dma_start3A_217] : memref<10000x16xf32, #tpu.memory_space<hbm>> -> memref<10000x16xf32, #tpu.memory_space<hbm>>
      tpu.enqueue_indirect_dma source(%dma_start3A_218 : memref<10000x16xf32, #tpu.memory_space<hbm>>) target(%arg10 : memref<1000x16xf32, #tpu.memory_space<vmem>>) offsets(%arg9 : memref<1000xi32, #tpu.memory_space<vmem>>) semaphore(%arg21 : memref<!tpu.dma_semaphore, #tpu.memory_space<semaphore_mem>>) {add = true}
      %mul3A_219 = arith.constant 1000 : i32
      %mul3A_220 = arith.muli %add3A_183, %mul3A_219 : i32
      %add3A_221 = arith.addi %mul3A_2, %mul3A_220 : i32
      %dma_start3A_222 = arith.constant 0 : i32
      %dma_start3A_223 = tpu.memref_slice %arg6[%dma_start3A_222, %add3A_221] : memref<16x320000xf32, #tpu.memory_space<hbm>> -> memref<16x1000xf32, #tpu.memory_space<hbm>>
      %dma_start3A_224 = arith.constant 0 : i32
      %dma_start3A_225 = tpu.memref_slice %arg6[%dma_start3A_224, %add3A_221] : memref<16x320000xf32, #tpu.memory_space<hbm>> -> memref<16x1000xf32, #tpu.memory_space<hbm>>
      tpu.enqueue_dma source(%arg17 : memref<16x1000xf32, #tpu.memory_space<vmem>>) target(%dma_start3A_225 : memref<16x1000xf32, #tpu.memory_space<hbm>>) target_semaphore(%arg24 : memref<!tpu.dma_semaphore, #tpu.memory_space<semaphore_mem>>)
      "tpu.region"() ({
        %run_scoped3A = tpu.sem_alloc : memref<!tpu.dma_semaphore, #tpu.memory_space<semaphore_mem>>
        %dma_start3A_247 = arith.constant 0 : i32
        %dma_start3A_248 = arith.constant 0 : i32
        %dma_start3A_249 = tpu.memref_slice %arg18[%dma_start3A_247, %dma_start3A_248] : memref<10240x16xf32, #tpu.memory_space<vmem_shared>> -> memref<10240x16xf32, #tpu.memory_space<vmem_shared>>
        tpu.enqueue_indirect_dma source(%arg14 : memref<1000x16xf32, #tpu.memory_space<vmem>>) target(%dma_start3A_249 : memref<10240x16xf32, #tpu.memory_space<vmem_shared>>) offsets(%arg13 : memref<1000xi32, #tpu.memory_space<vmem>>) semaphore(%run_scoped3A : memref<!tpu.dma_semaphore, #tpu.memory_space<semaphore_mem>>) {add = true}
        %dma_wait3A_250 = arith.constant 0 : i32
        %dma_wait3A_251 = arith.constant 0 : i32
        %dma_wait3A_252 = tpu.memref_slice %arg18[%dma_wait3A_250, %dma_wait3A_251] : memref<10240x16xf32, #tpu.memory_space<vmem_shared>> -> memref<10240x16xf32, #tpu.memory_space<vmem_shared>>
        tpu.wait_indirect_dma semaphore(%run_scoped3A : memref<!tpu.dma_semaphore, #tpu.memory_space<semaphore_mem>>) src(%arg14 : memref<1000x16xf32, #tpu.memory_space<vmem>>) dst(%dma_wait3A_252 : memref<10240x16xf32, #tpu.memory_space<vmem_shared>>)
        tpu.yield
      }) : () -> ()
      %add3A_226 = arith.constant 2 : i32
      %add3A_227 = arith.addi %add3A_183, %add3A_226 : i32
      %min3A_228 = arith.constant 9 : i32
      %min3A_229 = arith.minsi %add3A_227, %min3A_228 : i32
      %mul3A_230 = arith.constant 1000 : i32
      %mul3A_231 = arith.muli %min3A_229, %mul3A_230 : i32
      %add3A_232 = arith.addi %mul3A_2, %mul3A_231 : i32
      %dma_start3A_233 = arith.constant 0 : i32
      %dma_start3A_234 = tpu.memref_slice %arg5[%dma_start3A_233, %add3A_232] : memref<2x320000xi32, #tpu.memory_space<hbm>> -> memref<1x1000xi32, #tpu.memory_space<hbm>>
      %dma_start3A_235 = tpu.memref_squeeze %dma_start3A_234 : memref<1x1000xi32, #tpu.memory_space<hbm>> -> memref<1000xi32, #tpu.memory_space<hbm>>
      %dma_start3A_236 = tpu.memref_slice %arg5[%dma_start3A_233, %add3A_232] : memref<2x320000xi32, #tpu.memory_space<hbm>> -> memref<1x1000xi32, #tpu.memory_space<hbm>>
      %dma_start3A_237 = tpu.memref_squeeze %dma_start3A_236 : memref<1x1000xi32, #tpu.memory_space<hbm>> -> memref<1000xi32, #tpu.memory_space<hbm>>
      tpu.enqueue_dma source(%dma_start3A_237 : memref<1000xi32, #tpu.memory_space<hbm>>) target(%arg12 : memref<1000xi32, #tpu.memory_space<vmem>>) target_semaphore(%arg20 : memref<!tpu.dma_semaphore, #tpu.memory_space<semaphore_mem>>)
      %dma_start3A_238 = arith.constant 1 : i32
      %dma_start3A_239 = tpu.memref_slice %arg5[%dma_start3A_238, %add3A_232] : memref<2x320000xi32, #tpu.memory_space<hbm>> -> memref<1x1000xi32, #tpu.memory_space<hbm>>
      %dma_start3A_240 = tpu.memref_squeeze %dma_start3A_239 : memref<1x1000xi32, #tpu.memory_space<hbm>> -> memref<1000xi32, #tpu.memory_space<hbm>>
      %dma_start3A_241 = tpu.memref_slice %arg5[%dma_start3A_238, %add3A_232] : memref<2x320000xi32, #tpu.memory_space<hbm>> -> memref<1x1000xi32, #tpu.memory_space<hbm>>
      %dma_start3A_242 = tpu.memref_squeeze %dma_start3A_241 : memref<1x1000xi32, #tpu.memory_space<hbm>> -> memref<1000xi32, #tpu.memory_space<hbm>>
      tpu.enqueue_dma source(%dma_start3A_242 : memref<1000xi32, #tpu.memory_space<hbm>>) target(%arg13 : memref<1000xi32, #tpu.memory_space<vmem>>) target_semaphore(%arg20 : memref<!tpu.dma_semaphore, #tpu.memory_space<semaphore_mem>>)
      %dma_start3A_243 = arith.constant 0 : i32
      %dma_start3A_244 = tpu.memref_slice %arg4[%dma_start3A_243, %add3A_232] : memref<16x320000xf32, #tpu.memory_space<hbm>> -> memref<16x1000xf32, #tpu.memory_space<hbm>>
      %dma_start3A_245 = arith.constant 0 : i32
      %dma_start3A_246 = tpu.memref_slice %arg4[%dma_start3A_245, %add3A_232] : memref<16x320000xf32, #tpu.memory_space<hbm>> -> memref<16x1000xf32, #tpu.memory_space<hbm>>
      tpu.enqueue_dma source(%dma_start3A_246 : memref<16x1000xf32, #tpu.memory_space<hbm>>) target(%arg15 : memref<16x1000xf32, #tpu.memory_space<vmem>>) target_semaphore(%arg20 : memref<!tpu.dma_semaphore, #tpu.memory_space<semaphore_mem>>)
    }
    %scan3A_75 = arith.constant 5 : i32
    %dma_wait3A_76 = arith.constant 0 : i32
    %dma_wait3A_77 = tpu.memref_slice %arg5[%dma_wait3A_76, %mul3A_2] : memref<2x320000xi32, #tpu.memory_space<hbm>> -> memref<1x1000xi32, #tpu.memory_space<hbm>>
    %dma_wait3A_78 = tpu.memref_squeeze %dma_wait3A_77 : memref<1x1000xi32, #tpu.memory_space<hbm>> -> memref<1000xi32, #tpu.memory_space<hbm>>
    %dma_wait3A_79 = tpu.memref_slice %arg5[%dma_wait3A_76, %mul3A_2] : memref<2x320000xi32, #tpu.memory_space<hbm>> -> memref<1x1000xi32, #tpu.memory_space<hbm>>
    %dma_wait3A_80 = tpu.memref_squeeze %dma_wait3A_79 : memref<1x1000xi32, #tpu.memory_space<hbm>> -> memref<1000xi32, #tpu.memory_space<hbm>>
    tpu.wait_dma2 semaphore(%arg20 : memref<!tpu.dma_semaphore, #tpu.memory_space<semaphore_mem>>) src(%dma_wait3A_80 : memref<1000xi32, #tpu.memory_space<hbm>>) dst(%arg12 : memref<1000xi32, #tpu.memory_space<vmem>>)
    %dma_wait3A_81 = arith.constant 1 : i32
    %dma_wait3A_82 = tpu.memref_slice %arg5[%dma_wait3A_81, %mul3A_2] : memref<2x320000xi32, #tpu.memory_space<hbm>> -> memref<1x1000xi32, #tpu.memory_space<hbm>>
    %dma_wait3A_83 = tpu.memref_squeeze %dma_wait3A_82 : memref<1x1000xi32, #tpu.memory_space<hbm>> -> memref<1000xi32, #tpu.memory_space<hbm>>
    %dma_wait3A_84 = tpu.memref_slice %arg5[%dma_wait3A_81, %mul3A_2] : memref<2x320000xi32, #tpu.memory_space<hbm>> -> memref<1x1000xi32, #tpu.memory_space<hbm>>
    %dma_wait3A_85 = tpu.memref_squeeze %dma_wait3A_84 : memref<1x1000xi32, #tpu.memory_space<hbm>> -> memref<1000xi32, #tpu.memory_space<hbm>>
    tpu.wait_dma2 semaphore(%arg20 : memref<!tpu.dma_semaphore, #tpu.memory_space<semaphore_mem>>) src(%dma_wait3A_85 : memref<1000xi32, #tpu.memory_space<hbm>>) dst(%arg13 : memref<1000xi32, #tpu.memory_space<vmem>>)
    %dma_wait3A_86 = arith.constant 0 : i32
    %dma_wait3A_87 = tpu.memref_slice %arg4[%dma_wait3A_86, %mul3A_2] : memref<16x320000xf32, #tpu.memory_space<hbm>> -> memref<16x1000xf32, #tpu.memory_space<hbm>>
    %dma_wait3A_88 = arith.constant 0 : i32
    %dma_wait3A_89 = tpu.memref_slice %arg4[%dma_wait3A_88, %mul3A_2] : memref<16x320000xf32, #tpu.memory_space<hbm>> -> memref<16x1000xf32, #tpu.memory_space<hbm>>
    tpu.wait_dma2 semaphore(%arg20 : memref<!tpu.dma_semaphore, #tpu.memory_space<semaphore_mem>>) src(%dma_wait3A_89 : memref<16x1000xf32, #tpu.memory_space<hbm>>) dst(%arg15 : memref<16x1000xf32, #tpu.memory_space<vmem>>)
    %dma_wait3A_90 = arith.constant 0 : i32
    %dma_wait3A_91 = arith.constant 0 : i32
    %dma_wait3A_92 = tpu.memref_slice %arg2[%dma_wait3A_90, %dma_wait3A_91] : memref<10000x16xf32, #tpu.memory_space<hbm>> -> memref<10000x16xf32, #tpu.memory_space<hbm>>
    tpu.wait_indirect_dma semaphore(%arg21 : memref<!tpu.dma_semaphore, #tpu.memory_space<semaphore_mem>>) src(%dma_wait3A_92 : memref<10000x16xf32, #tpu.memory_space<hbm>>) dst(%arg10 : memref<1000x16xf32, #tpu.memory_space<vmem>>)
    %dma_wait3A_93 = arith.constant 0 : i32
    %dma_wait3A_94 = tpu.memref_slice %arg6[%dma_wait3A_93, %mul3A_2] : memref<16x320000xf32, #tpu.memory_space<hbm>> -> memref<16x1000xf32, #tpu.memory_space<hbm>>
    %dma_wait3A_95 = arith.constant 0 : i32
    %dma_wait3A_96 = tpu.memref_slice %arg6[%dma_wait3A_95, %mul3A_2] : memref<16x320000xf32, #tpu.memory_space<hbm>> -> memref<16x1000xf32, #tpu.memory_space<hbm>>
    tpu.wait_dma2 semaphore(%arg23 : memref<!tpu.dma_semaphore, #tpu.memory_space<semaphore_mem>>) src(%arg16 : memref<16x1000xf32, #tpu.memory_space<vmem>>) dst(%dma_wait3A_96 : memref<16x1000xf32, #tpu.memory_space<hbm>>)
    %dma_wait3A_97 = arith.constant 0 : i32
    %dma_wait3A_98 = tpu.memref_slice %arg6[%dma_wait3A_97, %mul3A_2] : memref<16x320000xf32, #tpu.memory_space<hbm>> -> memref<16x1000xf32, #tpu.memory_space<hbm>>
    %dma_wait3A_99 = arith.constant 0 : i32
    %dma_wait3A_100 = tpu.memref_slice %arg6[%dma_wait3A_99, %mul3A_2] : memref<16x320000xf32, #tpu.memory_space<hbm>> -> memref<16x1000xf32, #tpu.memory_space<hbm>>
    tpu.wait_dma2 semaphore(%arg24 : memref<!tpu.dma_semaphore, #tpu.memory_space<semaphore_mem>>) src(%arg17 : memref<16x1000xf32, #tpu.memory_space<vmem>>) dst(%dma_wait3A_100 : memref<16x1000xf32, #tpu.memory_space<hbm>>)
    %barrier3A_101 = arith.constant 0 : index
    tpu.barrier barrier_id(%barrier3A_101)
    %mul3A_102 = arith.constant 640 : i32
    %mul3A_103 = arith.muli %arg1, %mul3A_102 : i32
    "tpu.region"() ({
      %run_scoped3A = tpu.sem_alloc : memref<!tpu.dma_semaphore, #tpu.memory_space<semaphore_mem>>
      %dma_start3A_115 = arith.constant 0 : i32
      %dma_start3A_116 = arith.constant 0 : i32
      %dma_start3A_117 = tpu.memref_slice %arg10[%dma_start3A_115, %dma_start3A_116] : memref<1000x16xf32, #tpu.memory_space<vmem>> -> memref<640x16xf32, #tpu.memory_space<vmem>>
      %dma_start3A_118 = arith.constant 0 : i32
      %dma_start3A_119 = tpu.memref_slice %arg18[%mul3A_103, %dma_start3A_118] : memref<10240x16xf32, #tpu.memory_space<vmem_shared>> -> memref<640x16xf32, #tpu.memory_space<vmem_shared>>
      %dma_start3A_120 = arith.constant 0 : i32
      %dma_start3A_121 = arith.constant 0 : i32
      %dma_start3A_122 = tpu.memref_slice %arg10[%dma_start3A_120, %dma_start3A_121] : memref<1000x16xf32, #tpu.memory_space<vmem>> -> memref<640x16xf32, #tpu.memory_space<vmem>>
      %dma_start3A_123 = arith.constant 0 : i32
      %dma_start3A_124 = tpu.memref_slice %arg18[%mul3A_103, %dma_start3A_123] : memref<10240x16xf32, #tpu.memory_space<vmem_shared>> -> memref<640x16xf32, #tpu.memory_space<vmem_shared>>
      tpu.enqueue_dma source(%dma_start3A_124 : memref<640x16xf32, #tpu.memory_space<vmem_shared>>) target(%dma_start3A_122 : memref<640x16xf32, #tpu.memory_space<vmem>>) target_semaphore(%run_scoped3A : memref<!tpu.dma_semaphore, #tpu.memory_space<semaphore_mem>>)
      %dma_wait3A_125 = arith.constant 0 : i32
      %dma_wait3A_126 = arith.constant 0 : i32
      %dma_wait3A_127 = tpu.memref_slice %arg10[%dma_wait3A_125, %dma_wait3A_126] : memref<1000x16xf32, #tpu.memory_space<vmem>> -> memref<640x16xf32, #tpu.memory_space<vmem>>
      %dma_wait3A_128 = arith.constant 0 : i32
      %dma_wait3A_129 = tpu.memref_slice %arg18[%mul3A_103, %dma_wait3A_128] : memref<10240x16xf32, #tpu.memory_space<vmem_shared>> -> memref<640x16xf32, #tpu.memory_space<vmem_shared>>
      %dma_wait3A_130 = arith.constant 0 : i32
      %dma_wait3A_131 = arith.constant 0 : i32
      %dma_wait3A_132 = tpu.memref_slice %arg10[%dma_wait3A_130, %dma_wait3A_131] : memref<1000x16xf32, #tpu.memory_space<vmem>> -> memref<640x16xf32, #tpu.memory_space<vmem>>
      %dma_wait3A_133 = arith.constant 0 : i32
      %dma_wait3A_134 = tpu.memref_slice %arg18[%mul3A_103, %dma_wait3A_133] : memref<10240x16xf32, #tpu.memory_space<vmem_shared>> -> memref<640x16xf32, #tpu.memory_space<vmem_shared>>
      tpu.wait_dma2 semaphore(%run_scoped3A : memref<!tpu.dma_semaphore, #tpu.memory_space<semaphore_mem>>) src(%dma_wait3A_134 : memref<640x16xf32, #tpu.memory_space<vmem_shared>>) dst(%dma_wait3A_132 : memref<640x16xf32, #tpu.memory_space<vmem>>)
      tpu.yield
    }) : () -> ()
    %scan3A_104 = arith.constant 0 : i32
    %scan3A_105 = arith.constant 0 : i32
    %scan3A_106 = arith.constant 640 : i32
    %scan3A_107 = arith.addi %scan3A_105, %scan3A_106 : i32
    %scan3A_108 = arith.constant 1 : i32
    scf.for %scan3A_115 = %scan3A_105 to %scan3A_107 step %scan3A_108  : i32 {
      %broadcast_in_dim3A = vector.broadcast %scan3A_115 : i32 to vector<16xi32>
      %get3A = arith.index_cast %scan3A_115 : i32 to index
      %get3A_116 = arith.constant 0 : index
      %get3A_117 = tpu.vector_load %arg10[%get3A, %get3A_116] {strides = array<i32>} : memref<1000x16xf32, #tpu.memory_space<vmem>>, vector<16xf32>,
      tpu.vector_store_idx %arg16[%iota3A, %broadcast_in_dim3A], %get3A_117 : memref<16x1000xf32, #tpu.memory_space<vmem>>[vector<16xi32>, vector<16xi32>], vector<16xf32>,
    }
    %scan3A_109 = arith.constant 640 : i32
    %mul3A_110 = arith.constant 10240 : i32
    %mul3A_111 = arith.muli %arg0, %mul3A_110 : i32
    %mul3A_112 = arith.constant 640 : i32
    %mul3A_113 = arith.muli %arg1, %mul3A_112 : i32
    %add3A_114 = arith.addi %mul3A_111, %mul3A_113 : i32
    "tpu.region"() ({
      %run_scoped3A = tpu.sem_alloc : memref<!tpu.dma_semaphore, #tpu.memory_space<semaphore_mem>>
      %dma_start3A_115 = arith.constant 0 : i32
      %dma_start3A_116 = arith.constant 0 : i32
      %dma_start3A_117 = tpu.memref_slice %arg16[%dma_start3A_115, %dma_start3A_116] : memref<16x1000xf32, #tpu.memory_space<vmem>> -> memref<16x640xf32, #tpu.memory_space<vmem>>
      %dma_start3A_118 = arith.constant 0 : i32
      %dma_start3A_119 = tpu.memref_slice %arg7[%dma_start3A_118, %add3A_114] : memref<16x20480xf32, #tpu.memory_space<hbm>> -> memref<16x640xf32, #tpu.memory_space<hbm>>
      %dma_start3A_120 = arith.constant 0 : i32
      %dma_start3A_121 = tpu.memref_slice %arg7[%dma_start3A_120, %add3A_114] : memref<16x20480xf32, #tpu.memory_space<hbm>> -> memref<16x640xf32, #tpu.memory_space<hbm>>
      %dma_start3A_122 = arith.constant 0 : i32
      %dma_start3A_123 = arith.constant 0 : i32
      %dma_start3A_124 = tpu.memref_slice %arg16[%dma_start3A_122, %dma_start3A_123] : memref<16x1000xf32, #tpu.memory_space<vmem>> -> memref<16x640xf32, #tpu.memory_space<vmem>>
      tpu.enqueue_dma source(%dma_start3A_124 : memref<16x640xf32, #tpu.memory_space<vmem>>) target(%dma_start3A_121 : memref<16x640xf32, #tpu.memory_space<hbm>>) target_semaphore(%run_scoped3A : memref<!tpu.dma_semaphore, #tpu.memory_space<semaphore_mem>>)
      %dma_wait3A_125 = arith.constant 0 : i32
      %dma_wait3A_126 = arith.constant 0 : i32
      %dma_wait3A_127 = tpu.memref_slice %arg16[%dma_wait3A_125, %dma_wait3A_126] : memref<16x1000xf32, #tpu.memory_space<vmem>> -> memref<16x640xf32, #tpu.memory_space<vmem>>
      %dma_wait3A_128 = arith.constant 0 : i32
      %dma_wait3A_129 = tpu.memref_slice %arg7[%dma_wait3A_128, %add3A_114] : memref<16x20480xf32, #tpu.memory_space<hbm>> -> memref<16x640xf32, #tpu.memory_space<hbm>>
      %dma_wait3A_130 = arith.constant 0 : i32
      %dma_wait3A_131 = tpu.memref_slice %arg7[%dma_wait3A_130, %add3A_114] : memref<16x20480xf32, #tpu.memory_space<hbm>> -> memref<16x640xf32, #tpu.memory_space<hbm>>
      %dma_wait3A_132 = arith.constant 0 : i32
      %dma_wait3A_133 = arith.constant 0 : i32
      %dma_wait3A_134 = tpu.memref_slice %arg16[%dma_wait3A_132, %dma_wait3A_133] : memref<16x1000xf32, #tpu.memory_space<vmem>> -> memref<16x640xf32, #tpu.memory_space<vmem>>
      tpu.wait_dma2 semaphore(%run_scoped3A : memref<!tpu.dma_semaphore, #tpu.memory_space<semaphore_mem>>) src(%dma_wait3A_134 : memref<16x640xf32, #tpu.memory_space<vmem>>) dst(%dma_wait3A_131 : memref<16x640xf32, #tpu.memory_space<hbm>>)
      tpu.yield
    }) : () -> ()
    return
  }
}

module attributes {stable_mosaic.version = 14 : i64} {
  func.func @_edge_proj_body(%arg0: i32, %arg1: memref<16x32000xf32, #tpu.memory_space<vmem>>, %arg2: memref<16x16xf32, #tpu.memory_space<vmem>>, %arg3: memref<16x1xf32, #tpu.memory_space<vmem>>, %arg4: memref<16x32000xf32, #tpu.memory_space<vmem>>) attributes {dimension_semantics = [#tpu.dimension_semantics<arbitrary>], iteration_bounds = array<i64: 10>, scalar_prefetch = 0 : i64, scratch_operands = 0 : i64, tpu.core_type = #tpu.core_type<tc>, window_params = [{transform_indices = @transform_0, window_bounds = array<i64: 16, 32000>}, {pipeline_mode = #tpu.pipeline_mode<synchronous>, transform_indices = @transform_1, window_bounds = array<i64: 16, 16>}, {pipeline_mode = #tpu.pipeline_mode<synchronous>, transform_indices = @transform_2, window_bounds = array<i64: 16, 1>}, {transform_indices = @transform_3, window_bounds = array<i64: 16, 32000>}]} {
    %get3A = arith.constant 0 : index
    %get3A_0 = arith.constant 0 : index
    %get3A_1 = vector.load %arg2[%get3A, %get3A_0] : memref<16x16xf32, #tpu.memory_space<vmem>>, vector<16x16xf32>
    %get3A_2 = arith.constant 0 : index
    %get3A_3 = arith.constant 0 : index
    %get3A_4 = vector.load %arg1[%get3A_2, %get3A_3] : memref<16x32000xf32, #tpu.memory_space<vmem>>, vector<16x32000xf32>
    %dot_general3A = arith.constant dense<0.000000e+00> : vector<16x32000xf32>
    %dot_general3A_5 = tpu.matmul %get3A_1, %get3A_4, %dot_general3A {dimension_numbers = #tpu.dot_dimension_numbers<[1], [0], [0], [1], [0, 0, 1, 1], [], []>, transpose_lhs_hint = false} : vector<16x16xf32>, vector<16x32000xf32>, vector<16x32000xf32> -> vector<16x32000xf32>
    %get3A_6 = arith.constant 0 : index
    %get3A_7 = arith.constant 0 : index
    %get3A_8 = vector.load %arg3[%get3A_6, %get3A_7] : memref<16x1xf32, #tpu.memory_space<vmem>>, vector<16x1xf32>
    %add3A = vector.broadcast %get3A_8 : vector<16x1xf32> to vector<16x32000xf32>
    %add3A_9 = arith.addf %dot_general3A_5, %add3A : vector<16x32000xf32>
    %swap3A = arith.constant 0 : index
    %swap3A_10 = arith.constant 0 : index
    %swap3A_11 = vector.load %arg4[%swap3A, %swap3A_10] : memref<16x32000xf32, #tpu.memory_space<vmem>>, vector<16x32000xf32>
    tpu.vector_store %arg4[%swap3A, %swap3A_10], %add3A_9 {strides = array<i32>} : memref<16x32000xf32, #tpu.memory_space<vmem>>, vector<16x32000xf32>,
    return
  }
  func.func @transform_0(%arg0: i32) -> (i32, i32) {
    %c0_i32 = arith.constant 0 : i32
    %c0_i32_0 = arith.constant 0 : i32
    return %c0_i32, %arg0 : i32, i32
  }
  func.func @transform_1(%arg0: i32) -> (i32, i32) {
    %c0_i32 = arith.constant 0 : i32
    %c0_i32_0 = arith.constant 0 : i32
    %c0_i32_1 = arith.constant 0 : i32
    return %c0_i32, %c0_i32_0 : i32, i32
  }
  func.func @transform_2(%arg0: i32) -> (i32, i32) {
    %c0_i32 = arith.constant 0 : i32
    %c0_i32_0 = arith.constant 0 : i32
    %c0_i32_1 = arith.constant 0 : i32
    return %c0_i32, %c0_i32_0 : i32, i32
  }
  func.func @transform_3(%arg0: i32) -> (i32, i32) {
    %c0_i32 = arith.constant 0 : i32
    %c0_i32_0 = arith.constant 0 : i32
    return %c0_i32, %arg0 : i32, i32
  }
}

module attributes {stable_mosaic.version = 14 : i64} {
  func.func @_node_proj_body(%arg0: memref<10000x128xf32, #tpu.memory_space<vmem>>, %arg1: memref<128x16xf32, #tpu.memory_space<vmem>>, %arg2: memref<128x16xf32, #tpu.memory_space<vmem>>, %arg3: memref<10000x16xf32, #tpu.memory_space<vmem>>, %arg4: memref<10000x16xf32, #tpu.memory_space<vmem>>) attributes {dimension_semantics = [], scalar_prefetch = 0 : i64, scratch_operands = 0 : i64, tpu.core_type = #tpu.core_type<tc>} {
    %get3A = arith.constant 0 : index
    %get3A_0 = arith.constant 0 : index
    %get3A_1 = vector.load %arg0[%get3A, %get3A_0] : memref<10000x128xf32, #tpu.memory_space<vmem>>, vector<10000x128xf32>
    %get3A_2 = arith.constant 0 : index
    %get3A_3 = arith.constant 0 : index
    %get3A_4 = vector.load %arg1[%get3A_2, %get3A_3] : memref<128x16xf32, #tpu.memory_space<vmem>>, vector<128x16xf32>
    %dot_general3A = arith.constant dense<0.000000e+00> : vector<10000x16xf32>
    %dot_general3A_5 = tpu.matmul %get3A_1, %get3A_4, %dot_general3A {dimension_numbers = #tpu.dot_dimension_numbers<[1], [0], [0], [1], [0, 0, 1, 1], [], []>, transpose_lhs_hint = false} : vector<10000x128xf32>, vector<128x16xf32>, vector<10000x16xf32> -> vector<10000x16xf32>
    %swap3A = arith.constant 0 : index
    %swap3A_6 = arith.constant 0 : index
    %swap3A_7 = vector.load %arg3[%swap3A, %swap3A_6] : memref<10000x16xf32, #tpu.memory_space<vmem>>, vector<10000x16xf32>
    tpu.vector_store %arg3[%swap3A, %swap3A_6], %dot_general3A_5 {strides = array<i32>} : memref<10000x16xf32, #tpu.memory_space<vmem>>, vector<10000x16xf32>,
    %get3A_8 = arith.constant 0 : index
    %get3A_9 = arith.constant 0 : index
    %get3A_10 = vector.load %arg2[%get3A_8, %get3A_9] : memref<128x16xf32, #tpu.memory_space<vmem>>, vector<128x16xf32>
    %dot_general3A_11 = arith.constant dense<0.000000e+00> : vector<10000x16xf32>
    %dot_general3A_12 = tpu.matmul %get3A_1, %get3A_10, %dot_general3A_11 {dimension_numbers = #tpu.dot_dimension_numbers<[1], [0], [0], [1], [0, 0, 1, 1], [], []>, transpose_lhs_hint = false} : vector<10000x128xf32>, vector<128x16xf32>, vector<10000x16xf32> -> vector<10000x16xf32>
    %swap3A_13 = arith.constant 0 : index
    %swap3A_14 = arith.constant 0 : index
    %swap3A_15 = vector.load %arg4[%swap3A_13, %swap3A_14] : memref<10000x16xf32, #tpu.memory_space<vmem>>, vector<10000x16xf32>
    tpu.vector_store %arg4[%swap3A_13, %swap3A_14], %dot_general3A_12 {strides = array<i32>} : memref<10000x16xf32, #tpu.memory_space<vmem>>, vector<10000x16xf32>,
    return
  }
}

module attributes {stable_mosaic.version = 14 : i64} {
  func.func @_node_mlp_body(%arg0: i32, %arg1: memref<1024x128xf32, #tpu.memory_space<vmem>>, %arg2: memref<16x1024xf32, #tpu.memory_space<vmem>>, %arg3: memref<16x1024xf32, #tpu.memory_space<vmem>>, %arg4: memref<128x128xf32, #tpu.memory_space<vmem>>, %arg5: memref<16x128xf32, #tpu.memory_space<vmem>>, %arg6: memref<1x128xf32, #tpu.memory_space<vmem>>, %arg7: memref<1024x128xf32, #tpu.memory_space<vmem>>) attributes {dimension_semantics = [#tpu.dimension_semantics<arbitrary>], iteration_bounds = array<i64: 10>, scalar_prefetch = 0 : i64, scratch_operands = 0 : i64, tpu.core_type = #tpu.core_type<tc>, window_params = [{transform_indices = @transform_0, window_bounds = array<i64: 1024, 128>}, {transform_indices = @transform_1, window_bounds = array<i64: 16, 1024>}, {transform_indices = @transform_2, window_bounds = array<i64: 16, 1024>}, {pipeline_mode = #tpu.pipeline_mode<synchronous>, transform_indices = @transform_3, window_bounds = array<i64: 128, 128>}, {pipeline_mode = #tpu.pipeline_mode<synchronous>, transform_indices = @transform_4, window_bounds = array<i64: 16, 128>}, {pipeline_mode = #tpu.pipeline_mode<synchronous>, transform_indices = @transform_5, window_bounds = array<i64: 1, 128>}, {transform_indices = @transform_6, window_bounds = array<i64: 1024, 128>}]} {
    %get3A = arith.constant 0 : index
    %get3A_0 = arith.constant 0 : index
    %get3A_1 = vector.load %arg1[%get3A, %get3A_0] : memref<1024x128xf32, #tpu.memory_space<vmem>>, vector<1024x128xf32>
    %get3A_2 = arith.constant 0 : index
    %get3A_3 = arith.constant 0 : index
    %get3A_4 = vector.load %arg4[%get3A_2, %get3A_3] : memref<128x128xf32, #tpu.memory_space<vmem>>, vector<128x128xf32>
    %dot_general3A = arith.constant dense<0.000000e+00> : vector<1024x128xf32>
    %dot_general3A_5 = tpu.matmul %get3A_1, %get3A_4, %dot_general3A {dimension_numbers = #tpu.dot_dimension_numbers<[1], [0], [0], [1], [0, 0, 1, 1], [], []>, transpose_lhs_hint = false} : vector<1024x128xf32>, vector<128x128xf32>, vector<1024x128xf32> -> vector<1024x128xf32>
    %get3A_6 = arith.constant 0 : index
    %get3A_7 = arith.constant 0 : index
    %get3A_8 = vector.load %arg2[%get3A_6, %get3A_7] : memref<16x1024xf32, #tpu.memory_space<vmem>>, vector<16x1024xf32>
    %get3A_9 = arith.constant 0 : index
    %get3A_10 = arith.constant 0 : index
    %get3A_11 = vector.load %arg3[%get3A_9, %get3A_10] : memref<16x1024xf32, #tpu.memory_space<vmem>>, vector<16x1024xf32>
    %add3A = arith.addf %get3A_8, %get3A_11 : vector<16x1024xf32>
    %get3A_12 = arith.constant 0 : index
    %get3A_13 = arith.constant 0 : index
    %get3A_14 = vector.load %arg5[%get3A_12, %get3A_13] : memref<16x128xf32, #tpu.memory_space<vmem>>, vector<16x128xf32>
    %dot_general3A_15 = arith.constant dense<0.000000e+00> : vector<1024x128xf32>
    %dot_general3A_16 = tpu.matmul %add3A, %get3A_14, %dot_general3A_15 {dimension_numbers = #tpu.dot_dimension_numbers<[0], [0], [1], [1], [0, 1, 1, 1], [], []>, transpose_lhs_hint = false} : vector<16x1024xf32>, vector<16x128xf32>, vector<1024x128xf32> -> vector<1024x128xf32>
    %add3A_17 = arith.addf %dot_general3A_5, %dot_general3A_16 : vector<1024x128xf32>
    %get3A_18 = arith.constant 0 : index
    %get3A_19 = arith.constant 0 : index
    %get3A_20 = vector.load %arg6[%get3A_18, %get3A_19] : memref<1x128xf32, #tpu.memory_space<vmem>>, vector<1x128xf32>
    %add3A_21 = vector.broadcast %get3A_20 : vector<1x128xf32> to vector<1024x128xf32>
    %add3A_22 = arith.addf %add3A_17, %add3A_21 : vector<1024x128xf32>
    %max3A = arith.constant 0.000000e+00 : f32
    %max3A_23 = vector.broadcast %max3A : f32 to vector<1024x128xf32>
    %max3A_24 = arith.maximumf %add3A_22, %max3A_23 : vector<1024x128xf32>
    %swap3A = arith.constant 0 : index
    %swap3A_25 = arith.constant 0 : index
    %swap3A_26 = vector.load %arg7[%swap3A, %swap3A_25] : memref<1024x128xf32, #tpu.memory_space<vmem>>, vector<1024x128xf32>
    tpu.vector_store %arg7[%swap3A, %swap3A_25], %max3A_24 {strides = array<i32>} : memref<1024x128xf32, #tpu.memory_space<vmem>>, vector<1024x128xf32>,
    return
  }
  func.func @transform_0(%arg0: i32) -> (i32, i32) {
    %c0_i32 = arith.constant 0 : i32
    %c0_i32_0 = arith.constant 0 : i32
    return %arg0, %c0_i32 : i32, i32
  }
  func.func @transform_1(%arg0: i32) -> (i32, i32) {
    %c0_i32 = arith.constant 0 : i32
    %c0_i32_0 = arith.constant 0 : i32
    return %c0_i32, %arg0 : i32, i32
  }
  func.func @transform_2(%arg0: i32) -> (i32, i32) {
    %c0_i32 = arith.constant 0 : i32
    %c0_i32_0 = arith.constant 0 : i32
    return %c0_i32, %arg0 : i32, i32
  }
  func.func @transform_3(%arg0: i32) -> (i32, i32) {
    %c0_i32 = arith.constant 0 : i32
    %c0_i32_0 = arith.constant 0 : i32
    %c0_i32_1 = arith.constant 0 : i32
    return %c0_i32, %c0_i32_0 : i32, i32
  }
  func.func @transform_4(%arg0: i32) -> (i32, i32) {
    %c0_i32 = arith.constant 0 : i32
    %c0_i32_0 = arith.constant 0 : i32
    %c0_i32_1 = arith.constant 0 : i32
    return %c0_i32, %c0_i32_0 : i32, i32
  }
  func.func @transform_5(%arg0: i32) -> (i32, i32) {
    %c0_i32 = arith.constant 0 : i32
    %c0_i32_0 = arith.constant 0 : i32
    %c0_i32_1 = arith.constant 0 : i32
    return %c0_i32, %c0_i32_0 : i32, i32
  }
  func.func @transform_6(%arg0: i32) -> (i32, i32) {
    %c0_i32 = arith.constant 0 : i32
    %c0_i32_0 = arith.constant 0 : i32
    return %arg0, %c0_i32 : i32, i32
  }
}

</mosaic_0001>

<sc_bundles>
// kernel: kernel.6.cloned.1.call-start
scs
__scs_entry_jumppad:
0x0: {  	(pc) =	sbr.rel $0x88, $3  }
0x1: {  	(tag) =	ssettag $0x0;
	lr =	simm.s32 $0x1  }
0x2: {  	[smem:$0x3F9A] =	sst lr;
	_ =	strace $0xD0000000  }
0x3: {  	_ = 	snop  }
0x4: {  	_ = 	snop  }
0x5: {  	_ = 	snop  }
0x6: {  	_ = 	snop  }
0x7: {  	_ = 	snop  }
__scs_overlays_trampoline_lowered:
0x8: {  	[smem:$0x3FA9] =	sst s0  }
0x9: {  	[smem:$0x3FAA] =	sst s1  }
0xa: {  	[smem:$0x3FAB] =	sst s2  }
0xb: {  	[smem:$0x3FAC] =	sst s3  }
0xc: {  	[smem:$0x3FAD] =	sst s4  }
0xd: {  	[smem:$0x3FAE] =	sst s5  }
0xe: {  	[smem:$0x3FAF] =	sst s6  }
0xf: {  	[smem:$0x3FB0] =	sst s7  }
0x10: {  	[smem:$0x3FB1] =	sst s8  }
0x11: {  	[smem:$0x3FB2] =	sst s9;
	s0 =	simm.s32 @!p0 $0x0  }
0x12: {  	s1 =	sld [smem:$0x3F98];
	s0 =	simm.s32 @p0 $0x1  }
0x13: {  	[smem:$0x3FB3] =	sst s0;
	s0 =	simm.s32 @!p1 $0x0  }
0x14: {  	s2 =	sld [smem:$0x3F97];
	s0 =	simm.s32 @p1 $0x1  }
0x15: {  	[smem:$0x3FB4] =	sst s0;
	s0 =	simm.s32 @!p2 $0x0  }
0x16: {  	s3 =	sld [smem:$0x3FDB];
	s0 =	simm.s32 @p2 $0x1  }
0x17: {  	s4 =	simm.s32 $0x1BF5;
	[smem:$0x3FB6] =	sst s0  }
0x18: {  	s0 =	sld [smem:$0x3F99];
	_ =	swait.ge [sflag:s4], $0x0  }
0x19: {  	s7 =	sld [smem:$0x3F9A]  }
0x1a: {  	s8 =	sadd.s32 $0xFFFFE003, lr  }
0x1b: {  	s9 =	sadd.s32 $0xFFFFFEF7, lr;
	s5 =	simm.s32 $0xFFFFFFFF;
	p2 =	slt.u32 s8, $0xFFFFF086  }
0x1c: {  	p1 =	slt.u32 s9, $0xF7A;
	s5 =	simm.s32 @!p2 $0x0  }
0x1d: {  	s5 =	simm.s32 @p1 $0x1;
	p0 =	seq.s32 s7, s2  }
0x1e: {  	s7 =	smul.u32 @!p0 $0xF7A, s2;
	p2 =	seq.s32 @!p0 s5, $0x0  }
0x1f: {  	s9 =	smul.u32 $0xF7A, s1;
	s8 =	simm.s32 @!p0 $0x1BF5;
	p2 =	por !p2, p0  }
0x20: {  	[sflag:s8] =	ssyncset.s32 @!p0 $0xFFFFF086;
	s6 =	sadd.s32 @!p0 s3, s7;
	s7 =	simm.s32 @!p0 $0x108  }
0x21: {  	s3 =	sadd.s32 s3, s9;
	s6 =	sadd.s32 @!p0 $0x88, s6;
	s7 =	simm.s32 @p2 $0x1082  }
0x22: {  	[simem:s7], [sflag:s8] =	dma.local @!p0 [hbm:s6], $0xF7A  }
0x23: {  	s9 =	sor.u32 $0xD0000000, s2;
	s6 =	simm.s32 $0x108;
	_ =	swait.ge @!p0 [sflag:s8], $0x0  }
0x24: {  	s3 =	sadd.s32 $0x88, s3;
	s6 =	simm.s32 @!p1 $0x1082;
	[sflag:s4] =	ssyncset.s32 $0xFFFFF086  }
0x25: {  	[simem:s6], [sflag:s4] =	dma.local [hbm:s3], $0xF7A  }
0x26: {  	[smem:$0x3F9A] =	sst s1;
	(tag) =	ssettag s2;
	_ =	strace s9  }
0x27: {  	s1 =	sld [smem:$0x3FAA]  }
0x28: {  	s2 =	sld [smem:$0x3FAB]  }
0x29: {  	s4 =	sld [smem:$0x3FAD]  }
0x2a: {  	p0 =	seq.s32 s5, $0x0;
	s5 =	sld [smem:$0x3FAE]  }
0x2b: {  	s6 =	sld [smem:$0x3FAF]  }
0x2c: {  	s7 =	sld [smem:$0x3FB0]  }
0x2d: {  	s3 =	simm.s32 $0x108;
	s8 =	sld [smem:$0x3FB1]  }
0x2e: {  	s3 =	simm.s32 @!p0 $0x1082;
	s9 =	sld [smem:$0x3FB2]  }
0x2f: {  	lr =	sadd.s32 s0, s3;
	s0 =	sld [smem:$0x3FA9]  }
0x30: {  	s3 =	sld [smem:$0x3FAC]  }
0x31: {  	[smem:$0x3FB5] =	sst s10  }
0x32: {  	s10 =	sld [smem:$0x3FB3];
	_ =	sdelay $0x3  }
0x33: {  	p0 =	seq.s32 s10, $0x1;
	s10 =	sld [smem:$0x3FB5];
	_ =	sdelay $0x3  }
0x34: {  	[smem:$0x3FB5] =	sst s10  }
0x35: {  	s10 =	sld [smem:$0x3FB4];
	_ =	sdelay $0x3  }
0x36: {  	p1 =	seq.s32 s10, $0x1;
	s10 =	sld [smem:$0x3FB5];
	_ =	sdelay $0x3  }
0x37: {  	[smem:$0x3FB5] =	sst s10  }
0x38: {  	s10 =	sld [smem:$0x3FB6]  }
0x39: {  	_ = 	snop;
	(pc) =	sbr.ind lr, $3  }
0x3a: {  	_ = 	snop  }
0x3b: {  	_ = 	snop  }
0x3c: {  	p2 =	seq.s32 s10, $0x1;
	s10 =	sld [smem:$0x3FB5]  }
0x3d: {  	_ =	shalt  }
0x3e: {  	_ =	shalt  }
0x3f: {  	_ =	shalt  }
0x40: {  	_ =	shalt  }
0x41: {  	_ =	shalt  }
0x42: {  	_ =	shalt  }
0x43: {  	_ =	shalt  }
0x44: {  	_ =	shalt  }
0x45: {  	_ =	shalt  }
0x46: {  	_ =	shalt  }
0x47: {  	_ =	shalt  }
0x48: {  	_ =	shalt  }
0x49: {  	_ =	shalt  }
0x4a: {  	_ =	shalt  }
0x4b: {  	_ =	shalt  }
0x4c: {  	_ =	shalt  }
0x4d: {  	_ =	shalt  }
0x4e: {  	_ =	shalt  }
0x4f: {  	_ =	shalt  }
0x50: {  	_ =	shalt  }
0x51: {  	_ =	shalt  }
0x52: {  	_ =	shalt  }
0x53: {  	_ =	shalt  }
0x54: {  	_ =	shalt  }
0x55: {  	_ =	shalt  }
0x56: {  	_ =	shalt  }
0x57: {  	_ =	shalt  }
0x58: {  	_ =	shalt  }
0x59: {  	_ =	shalt  }
0x5a: {  	_ =	shalt  }
0x5b: {  	_ =	shalt  }
0x5c: {  	_ =	shalt  }
0x5d: {  	_ =	shalt  }
0x5e: {  	_ =	shalt  }
0x5f: {  	_ =	shalt  }
0x60: {  	_ =	shalt  }
0x61: {  	_ =	shalt  }
0x62: {  	_ =	shalt  }
0x63: {  	_ =	shalt  }
0x64: {  	_ =	shalt  }
0x65: {  	_ =	shalt  }
0x66: {  	_ =	shalt  }
0x67: {  	_ =	shalt  }
0x68: {  	_ =	shalt  }
0x69: {  	_ =	shalt  }
0x6a: {  	_ =	shalt  }
0x6b: {  	_ =	shalt  }
0x6c: {  	_ =	shalt  }
0x6d: {  	_ =	shalt  }
0x6e: {  	_ =	shalt  }
0x6f: {  	_ =	shalt  }
0x70: {  	_ =	shalt  }
0x71: {  	_ =	shalt  }
0x72: {  	_ =	shalt  }
0x73: {  	_ =	shalt  }
0x74: {  	_ =	shalt  }
0x75: {  	_ =	shalt  }
0x76: {  	_ =	shalt  }
0x77: {  	_ =	shalt  }
0x78: {  	_ =	shalt  }
0x79: {  	_ =	shalt  }
0x7a: {  	_ =	shalt  }
0x7b: {  	_ =	shalt  }
0x7c: {  	_ =	shalt  }
0x7d: {  	_ =	shalt  }
0x7e: {  	_ =	shalt  }
0x7f: {  	_ =	shalt  }
0x80: {  	_ =	shalt  }
0x81: {  	_ =	shalt  }
0x82: {  	_ =	shalt  }
0x83: {  	_ =	shalt  }
0x84: {  	_ =	shalt  }
0x85: {  	_ =	shalt  }
0x86: {  	_ =	shalt  }
0x87: {  	_ =	shalt  }
.Lfunc_end0:
.L_simem_size_0:
called_computation_lowered:
.L_overlay_start_0:
0x88: {  	s2 =	sld [smem:$0x3FD9]  }
0x89: {  	s3 =	sld [smem:$0x3FFE];
	_ =	sdelay $0x1  }
0x8a: {  	s1 =	srdreg.scid  }
0x8b: {  	s0 =	sand.u32 $0x1, s1  }
0x8c: {  	s14 =	sshll.u32 s0, $0xA;
	s2 =	sadd.s32 s3, s2  }
0x8d: {  	s2 =	sadd.s32 s2, s14  }
0x8e: {  	[smem:$0x3FC1] =	sst s2  }
0x8f: {  	_ = 	snop  }
0x90: {  	s2 =	sld [smem:$0x3FD0];
	_ =	sdelay $0x2  }
0x91: {  	s15 =	simm.s32 $0xA;
	s4 =	simm.s32 $0x10  }
0x92: {  	[smem:s4], [sflag:s15] =	dma.local [hbm:s2], $0x1  }
0x93: {  	_ =	swait.eq [sflag:s15], $0x1  }
0x94: {  	[sflag:s15] =	ssyncset.done $0x0  }
0x95: {  	s16 =	sld [smem:$0x10];
	[sflag:s15] =	ssyncadd.s32 $0xFFFFFFFF  }
0x96: {  	s17 =	sld [smem:$0x11];
	(tm) =	ssettm $0x1  }
0x97: {  	s18 =	sld [smem:$0x3FFB];
	_ =	sdelay $0x3  }
0x98: {  	_ =	strace s18  }
0x99: {  	s4 =	sld [smem:$0x3FFC];
	_ =	sdelay $0x3  }
0x9a: {  	_ =	strace s4  }
0x9b: {  	s4 =	sld [smem:$0x3FFD];
	_ =	sdelay $0x3  }
0x9c: {  	_ =	strace s4  }
0x9d: {  	_ =	strace $0x8FFFFFFF  }
0x9e: {  	s19 =	sld [smem:$0x3FDB];
	_ =	sdelay $0x1  }
0x9f: {  	s5 =	simm.s32 $_scs_section_size  }
0xa0: {  	s6 =	simm.s32 $_size__tile_overlayer_lowered;
	s7 =	simm.s32 $_tile_overlayer_lowered  }
0xa1: {  	s22 =	simm.s32 $0x1BFF;
	s21 =	sshll.u32 s7, $0x1;
	s4 =	sadd.s32 s5, s19  }
0xa2: {  	s8 =	simm.s32 $0x0;
	s20 =	sshll.u32 s6, $0x1;
	s6 =	sadd.s32 s21, s4  }
0xa3: {  	[timem:s8], [sflag:s22] =	dma.local [hbm:s6], s20  }
0xa4: {  	_ =	swait.ge [sflag:s22], s20  }
0xa5: {  	s5 =	ssub.s32 $0x0, s20;
	[sflag:s22] =	ssyncset.done $0x0  }
0xa6: {  	[sflag:s22] =	ssyncadd.s32 s5;
	_ =	sdelay $0x1  }
0xa7: {  	s23 =	simm.s32 $0x1B8B  }
0xa8: {  	_ =	swait.ge [sflag:s23], $0x1  }
0xa9: {  	[sflag:s23] =	ssyncset.done $0x0  }
0xaa: {  	s25 =	simm.s32 $0x1B8E;
	s24 =	sld [smem:$0x3FFE];
	[sflag:s23] =	ssyncadd.s32 $0xFFFFFFFF  }
0xab: {  	s26 =	simm.s32 $execute0_lowered;
	[smem:$0x3FD2] =	sst s25  }
0xac: {  	s6 =	sshll.u32 s26, $0x1;
	_ =	strace $0x80000046;
	[dreg:$0x1] =	wrdreg $0xFFFFFFFF  }
0xad: {  	s28 =	simm.s32 $_size_execute0_lowered;
	s4 =	sadd.s32 s4, s6;
	[dreg:$0x0] =	wrdreg $0x0  }
0xae: {  	s6 =	sshll.u32 s28, $0x1;
	[dreg:$0x2] =	wrdreg s4  }
0xaf: {  	[dreg:$0x3] =	wrdreg s6  }
0xb0: {  	[dreg:$0x4] =	wrdreg $0xC0  }
0xb1: {  	_ =	task [dreg:s8], $0x5FFFF  }
0xb2: {  	[dreg:$0x1] =	wrdreg $0xFFFFFFFF  }
0xb3: {  	[dreg:$0x0] =	wrdreg $0x60  }
0xb4: {  	[dreg:$0x2] =	wrdreg s24  }
0xb5: {  	[dreg:$0x3] =	wrdreg s17  }
0xb6: {  	[dreg:$0x4] =	wrdreg s16  }
0xb7: {  	[dreg:$0x5] =	wrdreg $0x186A00  }
0xb8: {  	[dreg:$0x6] =	wrdreg $0x9  }
0xb9: {  	_ =	task.clear_ibuf [dreg:s8], $0x7FFFF;
	_ =	strace $0x90000046  }
0xba: {  	s29 =	simm.s32 $0x9;
	_ =	strace $0x80000048  }
0xbb: {  	_ =	swait.ge [sflag:s29], $0x1  }
0xbc: {  	[sflag:s29] =	ssyncadd.s32 $0xFFFFFFFF  }
0xbd: {  	_ =	strace $0x90000048  }
0xbe: {  	_ =	sfence  }
0xbf: {  	s30 =	sld [smem:$0x0];
	_ =	sdelay $0x2  }
0xc0: {  	s31 =	sshll.u32 s1, $0xD;
	s1 =	sshrl.u32 s1, $0x2  }
0xc1: {  	s3 =	sand.u32 $0x4000, s31;
	s1 =	sadd.s32 s1, s30  }
0xc2: {  	s0 =	sor.u32 s3, s0;
	s1 =	sshll.u32 s1, $0x11  }
0xc3: {  	s0 =	sor.u32 s1, s0  }
0xc4: {  	s0 =	sadd.s32 $0x8F2B, s0  }
0xc5: {  	[sflag:s0] =	ssyncadd.remote.s32 $0x1  }
0xc6: {  	_ =	sfence.sel $0xFFFF  }
0xc7: {  	[dreg:$0x0] =	wrdreg $0xFFFFFFFF;
	(pc) =	sbr.abs _section_cstart, $3  }
0xc8: {  	[dreg:$0x1] =	wrdreg $0xFFFFFFFF  }
0xc9: {  	_ =	task.clear_ibuf [dreg:s8], $0x2FFFF;
	_ =	strace $0x9FFFFFFF  }
0xca: {  	(tm) =	ssettm $0x7FFFFFFF  }
0xcb: {  	_ =	shalt  }
tec
execute0_lowered:
.L_overlay_start_1:
0x0: {  	(tag) =	ssettag $0x1  }
0x1: {  	s0 =	rddreg [dreg:$0x0]  }
0x2: {  	s3 =	rddreg [dreg:$0x1]  }
0x3: {  	s11 =	rddreg [dreg:$0x2]  }
0x4: {  	s10 =	rddreg [dreg:$0x3]  }
0x5: {  	s1 =	srdreg.scid;
	s9 =	stileid.u32;
	s5 =	simm.s32 $0x0  }
0x6: {  	s28 =	simm.s32 $0x1;
	s29 =	simm.s32 $0x84D0;
	s30 =	simm.s32 $0x88B8  }
0x7: {  	s31 =	simm.s32 $0xCB20;
	s14 =	simm.s32 $0x109A0;
	s2 =	smul.u32 $0x280, s9  }
0x8: {  	s1 =	sand.u32 $0x1, s1;
	[smem:$0x7FF] =	sst s5;
	s15 =	smul.u32 $0xA000, s9  }
0x9: {  	s6 =	sadd.s32 $0x7000, s0;
	s12 =	smov.u32 s11;
	s4 =	smul.u32 $0x2800, s1  }
0xa: {  	s7 =	sshll.u32 s1, $0x4;
	_ =	strace $0x80000047;
	s1 =	ssub.s32 $0x2, s1  }
0xb: {  	s8 =	sor.u32 s9, s7;
	s7 =	sadd.s32 $0x2000, s0;
	s9 =	sadd.s32 $0x16000, s0  }
0xc: {  	s16 =	sshrl.u32 s1, $0x1;
	s17 =	sshrl.u32 s15, $0x2;
	s15 =	simm.s32 $0x4  }
0xd: {  	s2 =	sadd.s32 s2, s4;
	s13 =	smul.u32 $0x2710, s8;
	s1 =	ssub.s32 s1, s16  }
0xe: {  	s17 =	sadd.s32 s17, s10;
	s16 =	simm.s32 $0x14820;
	s2 =	sshrl.u32 s2, $0x3  }
0xf: {  	s26 =	smax.u32 s1, $0x1;
	[dreg:$0x5] =	wrdreg s17;
	s0 =	sadd.s32 s2, s0  }
0x10: {  	s18 =	sshrl.u32 s13, $0x3;
	s8 =	sadd.s32 $0x3E8, s13;
	s21 =	sadd.s32 $0x4E5E8, s13  }
0x11: {  	s24 =	sadd.s32 $0x7D0, s13;
	s25 =	sadd.s32 $0xBB8, s13;
	[dreg:$0xf] =	wrdreg s26  }
0x12: {  	s26 =	simm.s32 $0x4650;
	s19 =	sadd.s32 s11, s18;
	s20 =	sshrl.u32 s8, $0x3  }
0x13: {  	s4 =	sadd.s32 s3, s18;
	s23 =	sshrl.u32 s21, $0x3;
	[dreg:$0xc] =	wrdreg s24  }
0x14: {  	s18 =	smov.u32 s13;
	[dreg:$0xd] =	wrdreg s25;
	s0 =	sadd.s32 $0xC000, s0  }
0x15: {  	s24 =	simm.s32 $0x3E8;
	s25 =	simm.s32 $0x4E200;
	[dreg:$0x6] =	wrdreg s19  }
0x16: {  	v0 =	vlaneseq.u32;
	s13 =	simm.s32 $0x8CA0;
	s2 =	sadd.s32 $0x9C40, s19;
	[dreg:$0x8] =	wrdreg s4  }
0x17: {  	v0 =	vmul.u32 $0x3E8, v0;
	s19 =	smov.u32 s8;
	s22 =	sadd.s32 s11, s20;
	[dreg:$0xe] =	wrdreg s0  }
0x18: {  	v2 =	vimm.s32 $0x0;
	vm0 =	vcmask $0x300;
	s4 =	sadd.s32 s11, s23;
	s8 =	smov.u32 s3;
	[dreg:$0x7] =	wrdreg s2  }
0x19: {  	v1 =	vimm.f32 $0.0e+00;
	v2 =	vsel vm0, $0x3, v2;
	v3 =	vor.u32 $0x1, v0;
	s23 =	simm.s32 $0x7;
	s0 =	simm.s32 $0x3;
	[dreg:$0x9] =	wrdreg s22  }
0x1a: {  	v4 =	vor.u32 $0x2, v0;
	v5 =	vor.u32 $0x3, v0;
	v6 =	vor.u32 $0x4, v0;
	[dreg:$0xa] =	wrdreg s4;
	s2 =	sadd.s32 s3, s20;
	s22 =	simm.s32 $0x7D0  }
0x1b: {  	v7 =	vor.u32 $0x5, v0;
	v8 =	vor.u32 $0x6, v0;
	v9 =	vor.u32 $0x7, v0;
	s3 =	simm.s32 $0x0;
	[dreg:$0xb] =	wrdreg s2;
	s2 =	simm.s32 $0x2  }
.LBB2_1:
0x1c: {  	s1 =	simm.s32 $0x40;
	s4 =	simm.s32 $0x0  }
.LBB2_2:
0x1d: {  	p0 =	sne.s32 s1, $0x9FC0;
	[tilespmem:s4+$0x7D0] =	vst v1;
	s4 =	smov.u32 s1;
	s1 =	sadd.s32 $0x40, s1  }
.Ltmp0:
0x1e: {  	(pc) =	sbr.rel @p0 .LBB2_2-.Ltmp0, $2  }
0x1f: {  	_ =	sdelay $0x2  }
0x20: {  	s4 =	sshra.s32 s4, $0x2  }
0x21: {  	[dreg:$0x10] =	wrdreg s3;
	[tilespmem:s4+$0x7D0] =	vst v1  }
0x22: {  	[spmem:s17] =	stream.linear.scatter [tilespmem:s22], [sflag:$0x7], $0x2800, $0x38;
	[tilespmem:$0x1AEA0] =	vst v63  }
0x23: {  	_ =	swait.ge [sflag:s23], $0x2800  }
0x24: {  	[sflag:s23] =	ssyncset.done $0x0  }
0x25: {  	[sflag:s23] =	ssyncadd.s32 $0xFFFFD800  }
0x26: {  	[bflag:$0x0] =	sbarrier.arrive $0xFFFF  }
0x27: {  	s17 =	simm.s32 $0x0;
	s1 =	rddreg [dreg:$0x6]  }
0x28: {  	[tilespmem:s17], [sflag:$0x1] =	stream.linear.gather [hbm4b:s1+s17], $0x3E8, $0x38;
	[tilespmem:$0x1AEA0] =	vst v63  }
0x29: {  	s4 =	rddreg [dreg:$0x7]  }
0x2a: {  	[tilespmem:s24], [sflag:$0x1] =	stream.linear.gather [hbm4b:s4+s17], $0x3E8, $0x38;
	[tilespmem:$0x1AEA0] =	vst v63  }
0x2b: {  	s10 =	rddreg [dreg:$0x8]  }
0x2c: {  	[tilespmem:s26], [sflag:$0x1] =	stream.strided.gather [hbm4b:s10+s24], $0x3E80, s25, s24, $0x38;
	[tilespmem:$0x1AEA0] =	vst v63  }
0x2d: {  	_ =	swait.ge [sflag:s28], $0x3E8  }
0x2e: {  	[sflag:s28] =	ssyncset.done $0x0  }
0x2f: {  	[sflag:s28] =	ssyncadd.s32 $0xFFFFFC18  }
0x30: {  	_ =	swait.ge [sflag:s28], $0x3E8  }
0x31: {  	[sflag:s28] =	ssyncset.done $0x0  }
0x32: {  	[sflag:s28] =	ssyncadd.s32 $0xFFFFFC18  }
0x33: {  	_ =	swait.ge [sflag:s28], $0x3E80  }
0x34: {  	[sflag:s28] =	ssyncset.done $0x0  }
0x35: {  	[sflag:s28] =	ssyncadd.s32 $0xFFFFC180  }
0x36: {  	[tilespmem:s22], [sflag:$0x3] =	stream.indirect.gather [hbm4b:s6+s24], $0x10, s17, s24, $0xb8;
	[tilespmem:$0x1AEA0] =	vst v63  }
0x37: {  	s11 =	rddreg [dreg:$0x9]  }
0x38: {  	[tilespmem:s29], [sflag:$0x2] =	stream.linear.gather [hbm4b:s11+s17], $0x3E8, $0x38;
	[tilespmem:$0x1AEA0] =	vst v63  }
0x39: {  	s20 =	rddreg [dreg:$0xa]  }
0x3a: {  	[tilespmem:s30], [sflag:$0x2] =	stream.linear.gather [hbm4b:s20+s17], $0x3E8, $0x38;
	[tilespmem:$0x1AEA0] =	vst v63  }
0x3b: {  	s21 =	rddreg [dreg:$0xb]  }
0x3c: {  	[tilespmem:s31], [sflag:$0x2] =	stream.strided.gather [hbm4b:s21+s24], $0x3E80, s25, s24, $0x38;
	[tilespmem:$0x1AEA0] =	vst v63  }
0x3d: {  	_ =	swait.ge [sflag:s0], $0x3E80  }
0x3e: {  	[sflag:s0] =	ssyncset.done $0x0  }
0x3f: {  	[sflag:s0] =	ssyncadd.s32 $0xFFFFC180  }
0x40: {  	[tilespmem:s22], [sflag:$0x3] =	stream.indirect.gather.add.f32 [hbm:s7], $0x10, s24, s24, $0xb8;
	[tilespmem:$0x1AEA0] =	vst v63  }
.LBB2_4:
0x41: {  	_ =	swait.ge [sflag:s2], $0x3E8  }
0x42: {  	[sflag:s2] =	ssyncset.done $0x0  }
0x43: {  	[sflag:s2] =	ssyncadd.s32 $0xFFFFFC18  }
0x44: {  	_ =	swait.ge [sflag:s2], $0x3E8  }
0x45: {  	[sflag:s2] =	ssyncset.done $0x0  }
0x46: {  	s1 =	simm.s32 $0x0;
	[sflag:s2] =	ssyncadd.s32 $0xFFFFFC18  }
0x47: {  	v10 =	vmov s1;
	_ =	swait.ge [sflag:s2], $0x3E80  }
0x48: {  	v10 =	vshrl.u32 v10, $0x3;
	[sflag:s2] =	ssyncset.done $0x0  }
0x49: {  	v10 =	vshll.u32 v10, v2;
	[sflag:s2] =	ssyncadd.s32 $0xFFFFC180  }
0x4a: {  	v10 =	vbroadcast v10, $0x0;
	[tilespmem:s13], [sflag:$0x4] =	stream.indirect.gather [hbm4b:s6+s24], $0x10, s29, s24, $0xb8;
	[tilespmem:$0x1AEA0] =	vst v63  }
0x4b: {  	_ =	swait.ge [sflag:s0], $0x3E80  }
0x4c: {  	p0 =	seq.s32 s17, $0x0;
	v10 =	vadd.s32 v0, v10;
	[sflag:s0] =	ssyncset.done $0x0  }
0x4d: {  	s1 =	simm.s32 @!p0 $0x5;
	[sflag:s0] =	ssyncadd.s32 $0xFFFFC180  }
0x4e: {  	_ =	swait.ge @!p0 [sflag:s1], $0x3E80  }
0x4f: {  	[sflag:s1] =	ssyncset.done @!p0 $0x0  }
0x50: {  	[sflag:s1] =	ssyncadd.s32 @!p0 $0xFFFFC180  }
0x51: {  	s10 =	simm.s32 $0x810;
	s11 =	simm.s32 $0x1;
	v11 =	vld.idx.msk [tilespmem:v10+s26+$0x0], $0xffff  }
0x52: {  	v13 =	vmov s11;
	v12 =	vld [tilespmem:s10+$0xFFFFFFC0]  }
0x53: {  	v13 =	vshrl.u32 v13, $0x3  }
0x54: {  	v13 =	vshll.u32 v13, v2  }
0x55: {  	v13 =	vbroadcast v13, $0x0;
	_ =	sdelay $0x1  }
0x56: {  	v11 =	vadd.f32 v12, v11;
	v12 =	vadd.s32 v3, v13;
	_ =	sdelay $0x1  }
0x57: {  	v11 =	vmax.f32 v11, $0.0e+00  }
0x58: {  	[tilespmem:s10+$0xFFFFFFC0] =	vst v11  }
0x59: {  	[tilespmem:v10+s14+$0x0] =	vst.idx.msk $0xffff, v11  }
0x5a: {  	s20 =	simm.s32 $0x2;
	v10 =	vld.idx.msk [tilespmem:v12+s26+$0x0], $0xffff  }
0x5b: {  	v13 =	vmov s20;
	v11 =	vld [tilespmem:s10+$0xFFFFFFD0]  }
0x5c: {  	v13 =	vshrl.u32 v13, $0x3  }
0x5d: {  	v13 =	vshll.u32 v13, v2  }
0x5e: {  	v13 =	vbroadcast v13, $0x0;
	_ =	sdelay $0x1  }
0x5f: {  	v10 =	vadd.f32 v11, v10;
	v11 =	vadd.s32 v4, v13;
	_ =	sdelay $0x1  }
0x60: {  	v10 =	vmax.f32 v10, $0.0e+00  }
0x61: {  	[tilespmem:s10+$0xFFFFFFD0] =	vst v10  }
0x62: {  	[tilespmem:v12+s14+$0x0] =	vst.idx.msk $0xffff, v10  }
0x63: {  	s21 =	simm.s32 $0x3;
	v10 =	vld.idx.msk [tilespmem:v11+s26+$0x0], $0xffff  }
0x64: {  	v13 =	vmov s21;
	v12 =	vld [tilespmem:s10+$0xFFFFFFE0]  }
0x65: {  	v13 =	vshrl.u32 v13, $0x3  }
0x66: {  	v13 =	vshll.u32 v13, v2  }
0x67: {  	v13 =	vbroadcast v13, $0x0;
	_ =	sdelay $0x1  }
0x68: {  	v10 =	vadd.f32 v12, v10;
	v12 =	vadd.s32 v5, v13;
	_ =	sdelay $0x1  }
0x69: {  	v10 =	vmax.f32 v10, $0.0e+00  }
0x6a: {  	[tilespmem:s10+$0xFFFFFFE0] =	vst v10  }
0x6b: {  	[tilespmem:v11+s14+$0x0] =	vst.idx.msk $0xffff, v10  }
0x6c: {  	s3 =	simm.s32 $0x4;
	v10 =	vld.idx.msk [tilespmem:v12+s26+$0x0], $0xffff  }
0x6d: {  	v13 =	vmov s3;
	v11 =	vld [tilespmem:s10+$0xFFFFFFF0]  }
0x6e: {  	v13 =	vshrl.u32 v13, $0x3  }
0x6f: {  	v13 =	vshll.u32 v13, v2  }
0x70: {  	v13 =	vbroadcast v13, $0x0;
	_ =	sdelay $0x1  }
0x71: {  	v10 =	vadd.f32 v11, v10;
	v11 =	vadd.s32 v6, v13;
	_ =	sdelay $0x1  }
0x72: {  	v10 =	vmax.f32 v10, $0.0e+00  }
0x73: {  	[tilespmem:s10+$0xFFFFFFF0] =	vst v10  }
0x74: {  	[tilespmem:v12+s14+$0x0] =	vst.idx.msk $0xffff, v10  }
0x75: {  	s4 =	simm.s32 $0x5;
	v10 =	vld.idx.msk [tilespmem:v11+s26+$0x0], $0xffff  }
0x76: {  	v13 =	vmov s4;
	v12 =	vld [tilespmem:s10+$0x0]  }
0x77: {  	v13 =	vshrl.u32 v13, $0x3  }
0x78: {  	v13 =	vshll.u32 v13, v2  }
0x79: {  	v13 =	vbroadcast v13, $0x0;
	_ =	sdelay $0x1  }
0x7a: {  	v10 =	vadd.f32 v12, v10;
	v12 =	vadd.s32 v7, v13;
	_ =	sdelay $0x1  }
0x7b: {  	v10 =	vmax.f32 v10, $0.0e+00  }
0x7c: {  	[tilespmem:s10+$0x0] =	vst v10  }
0x7d: {  	[tilespmem:v11+s14+$0x0] =	vst.idx.msk $0xffff, v10  }
0x7e: {  	s11 =	simm.s32 $0x6;
	v10 =	vld.idx.msk [tilespmem:v12+s26+$0x0], $0xffff  }
0x7f: {  	v13 =	vmov s11;
	v11 =	vld [tilespmem:s10+$0x10]  }
0x80: {  	v13 =	vshrl.u32 v13, $0x3  }
0x81: {  	v13 =	vshll.u32 v13, v2  }
0x82: {  	v13 =	vbroadcast v13, $0x0;
	_ =	sdelay $0x1  }
0x83: {  	v13 =	vadd.s32 v8, v13;
	v10 =	vadd.f32 v11, v10;
	_ =	sdelay $0x1  }
0x84: {  	v10 =	vmax.f32 v10, $0.0e+00  }
0x85: {  	[tilespmem:s10+$0x10] =	vst v10  }
0x86: {  	[tilespmem:v12+s14+$0x0] =	vst.idx.msk $0xffff, v10  }
0x87: {  	s20 =	simm.s32 $0x7;
	v10 =	vld.idx.msk [tilespmem:v13+s26+$0x0], $0xffff  }
0x88: {  	v12 =	vmov s20;
	v11 =	vld [tilespmem:s10+$0x20]  }
0x89: {  	v12 =	vshrl.u32 v12, $0x3  }
0x8a: {  	v12 =	vshll.u32 v12, v2  }
0x8b: {  	v12 =	vbroadcast v12, $0x0;
	_ =	sdelay $0x1  }
0x8c: {  	v10 =	vadd.f32 v11, v10;
	v11 =	vadd.s32 v9, v12;
	_ =	sdelay $0x1  }
0x8d: {  	v10 =	vmax.f32 v10, $0.0e+00  }
0x8e: {  	[tilespmem:s10+$0x20] =	vst v10  }
0x8f: {  	[tilespmem:v13+s14+$0x0] =	vst.idx.msk $0xffff, v10  }
0x90: {  	v10 =	vld.idx.msk [tilespmem:v11+s26+$0x0], $0xffff  }
0x91: {  	v12 =	vld [tilespmem:s10+$0x30]  }
0x92: {  	s21 =	simm.s32 $0x8  }
0x93: {  	v13 =	vmov s21  }
0x94: {  	v13 =	vshrl.u32 v13, $0x3  }
0x95: {  	v13 =	vshll.u32 v13, v2  }
0x96: {  	v13 =	vbroadcast v13, $0x0;
	v10 =	vadd.f32 v12, v10;
	_ =	sdelay $0x1  }
0x97: {  	v12 =	vmax.f32 v10, $0.0e+00;
	v10 =	vadd.s32 v0, v13;
	_ =	sdelay $0x1  }
0x98: {  	s11 =	simm.s32 $0xF;
	s20 =	simm.s32 $0x17;
	s21 =	sshll.u32 s17, $0x1;
	[tilespmem:s10+$0x30] =	vst v12  }
.LBB2_5:
0x99: {  	p1 =	sne.s32 s20, $0x3E7  }
0x9a: {  	[tilespmem:v11+s14+$0x0] =	vst.idx.msk $0xffff, v12;
	s10 =	sadd.s32 $0x80, s10;
	s1 =	smov.u32 s20;
	s20 =	sadd.s32 $0x8, s20  }
0x9b: {  	s4 =	sadd.s32 $0xFFFFFFFA, s11;
	v11 =	vld.idx.msk [tilespmem:v10+s26+$0x0], $0xffff  }
0x9c: {  	v13 =	vmov s4;
	v12 =	vld [tilespmem:s10+$0xFFFFFFC0]  }
0x9d: {  	v13 =	vshrl.u32 v13, $0x3  }
0x9e: {  	v13 =	vshll.u32 v13, v2  }
0x9f: {  	v13 =	vbroadcast v13, $0x0;
	_ =	sdelay $0x1  }
0xa0: {  	v11 =	vadd.f32 v12, v11;
	v12 =	vadd.s32 v3, v13;
	_ =	sdelay $0x1  }
0xa1: {  	v11 =	vmax.f32 v11, $0.0e+00  }
0xa2: {  	[tilespmem:s10+$0xFFFFFFC0] =	vst v11  }
0xa3: {  	[tilespmem:v10+s14+$0x0] =	vst.idx.msk $0xffff, v11  }
0xa4: {  	s4 =	sadd.s32 $0xFFFFFFFB, s11;
	v10 =	vld.idx.msk [tilespmem:v12+s26+$0x0], $0xffff  }
0xa5: {  	v13 =	vmov s4;
	v11 =	vld [tilespmem:s10+$0xFFFFFFD0]  }
0xa6: {  	v13 =	vshrl.u32 v13, $0x3  }
0xa7: {  	v13 =	vshll.u32 v13, v2  }
0xa8: {  	v13 =	vbroadcast v13, $0x0;
	_ =	sdelay $0x1  }
0xa9: {  	v10 =	vadd.f32 v11, v10;
	v11 =	vadd.s32 v4, v13;
	_ =	sdelay $0x1  }
0xaa: {  	v10 =	vmax.f32 v10, $0.0e+00  }
0xab: {  	[tilespmem:s10+$0xFFFFFFD0] =	vst v10  }
0xac: {  	[tilespmem:v12+s14+$0x0] =	vst.idx.msk $0xffff, v10  }
0xad: {  	s4 =	sadd.s32 $0xFFFFFFFC, s11;
	v10 =	vld.idx.msk [tilespmem:v11+s26+$0x0], $0xffff  }
0xae: {  	v13 =	vmov s4;
	v12 =	vld [tilespmem:s10+$0xFFFFFFE0]  }
0xaf: {  	v13 =	vshrl.u32 v13, $0x3  }
0xb0: {  	v13 =	vshll.u32 v13, v2  }
0xb1: {  	v13 =	vbroadcast v13, $0x0;
	_ =	sdelay $0x1  }
0xb2: {  	v10 =	vadd.f32 v12, v10;
	v12 =	vadd.s32 v5, v13;
	_ =	sdelay $0x1  }
0xb3: {  	v10 =	vmax.f32 v10, $0.0e+00  }
0xb4: {  	[tilespmem:s10+$0xFFFFFFE0] =	vst v10  }
0xb5: {  	[tilespmem:v11+s14+$0x0] =	vst.idx.msk $0xffff, v10  }
0xb6: {  	s4 =	sadd.s32 $0xFFFFFFFD, s11;
	v10 =	vld.idx.msk [tilespmem:v12+s26+$0x0], $0xffff  }
0xb7: {  	v13 =	vmov s4;
	v11 =	vld [tilespmem:s10+$0xFFFFFFF0]  }
0xb8: {  	v13 =	vshrl.u32 v13, $0x3  }
0xb9: {  	v13 =	vshll.u32 v13, v2  }
0xba: {  	v13 =	vbroadcast v13, $0x0;
	_ =	sdelay $0x1  }
0xbb: {  	v10 =	vadd.f32 v11, v10;
	v11 =	vadd.s32 v6, v13;
	_ =	sdelay $0x1  }
0xbc: {  	v10 =	vmax.f32 v10, $0.0e+00  }
0xbd: {  	[tilespmem:s10+$0xFFFFFFF0] =	vst v10  }
0xbe: {  	[tilespmem:v12+s14+$0x0] =	vst.idx.msk $0xffff, v10  }
0xbf: {  	s4 =	sadd.s32 $0xFFFFFFFE, s11;
	v10 =	vld.idx.msk [tilespmem:v11+s26+$0x0], $0xffff  }
0xc0: {  	v13 =	vmov s4;
	v12 =	vld [tilespmem:s10+$0x0]  }
0xc1: {  	v13 =	vshrl.u32 v13, $0x3  }
0xc2: {  	v13 =	vshll.u32 v13, v2  }
0xc3: {  	v13 =	vbroadcast v13, $0x0;
	_ =	sdelay $0x1  }
0xc4: {  	v10 =	vadd.f32 v12, v10;
	v12 =	vadd.s32 v7, v13;
	_ =	sdelay $0x1  }
0xc5: {  	v10 =	vmax.f32 v10, $0.0e+00  }
0xc6: {  	[tilespmem:s10+$0x0] =	vst v10  }
0xc7: {  	[tilespmem:v11+s14+$0x0] =	vst.idx.msk $0xffff, v10  }
0xc8: {  	s4 =	sadd.s32 $0xFFFFFFFF, s11;
	v10 =	vld.idx.msk [tilespmem:v12+s26+$0x0], $0xffff  }
0xc9: {  	v13 =	vmov s4;
	v11 =	vld [tilespmem:s10+$0x10]  }
0xca: {  	v13 =	vshrl.u32 v13, $0x3  }
0xcb: {  	v13 =	vshll.u32 v13, v2  }
0xcc: {  	v13 =	vbroadcast v13, $0x0;
	_ =	sdelay $0x1  }
0xcd: {  	v13 =	vadd.s32 v8, v13;
	v10 =	vadd.f32 v11, v10;
	_ =	sdelay $0x1  }
0xce: {  	v10 =	vmax.f32 v10, $0.0e+00  }
0xcf: {  	[tilespmem:s10+$0x10] =	vst v10  }
0xd0: {  	[tilespmem:v12+s14+$0x0] =	vst.idx.msk $0xffff, v10  }
0xd1: {  	v10 =	vld.idx.msk [tilespmem:v13+s26+$0x0], $0xffff  }
0xd2: {  	v12 =	vmov s11;
	s11 =	smov.u32 s1;
	v11 =	vld [tilespmem:s10+$0x20]  }
0xd3: {  	v12 =	vshrl.u32 v12, $0x3  }
0xd4: {  	v12 =	vshll.u32 v12, v2  }
0xd5: {  	v12 =	vbroadcast v12, $0x0;
	_ =	sdelay $0x1  }
0xd6: {  	v10 =	vadd.f32 v11, v10;
	v11 =	vadd.s32 v9, v12;
	_ =	sdelay $0x1  }
0xd7: {  	v10 =	vmax.f32 v10, $0.0e+00  }
0xd8: {  	[tilespmem:s10+$0x20] =	vst v10  }
0xd9: {  	[tilespmem:v13+s14+$0x0] =	vst.idx.msk $0xffff, v10  }
0xda: {  	s1 =	sadd.s32 $0xFFFFFFF9, s11;
	v12 =	vld.idx.msk [tilespmem:v11+s26+$0x0], $0xffff  }
0xdb: {  	v10 =	vmov s1;
	v13 =	vld [tilespmem:s10+$0x30]  }
0xdc: {  	v10 =	vshrl.u32 v10, $0x3  }
0xdd: {  	v10 =	vshll.u32 v10, v2  }
0xde: {  	v10 =	vbroadcast v10, $0x0  }
.Ltmp1:
0xdf: {  	(pc) =	sbr.rel @p1 .LBB2_5-.Ltmp1, $3  }
0xe0: {  	v10 =	vadd.s32 v0, v10;
	v12 =	vadd.f32 v13, v12;
	_ =	sdelay $0x1  }
0xe1: {  	v12 =	vmax.f32 v12, $0.0e+00  }
0xe2: {  	[tilespmem:s10+$0x30] =	vst v12  }
0xe3: {  	_ =	sdelay $0x3  }
0xe4: {  	[tilespmem:v11+s14+$0x0] =	vst.idx.msk $0xffff, v12  }
0xe5: {  	s1 =	sadd.s32 $0x80, s10;
	s4 =	sadd.s32 $0xFFFFFFFA, s11;
	v11 =	vld.idx.msk [tilespmem:v10+s26+$0x0], $0xffff  }
0xe6: {  	v12 =	vld [tilespmem:s1+$0xFFFFFFC0];
	v13 =	vmov s4  }
0xe7: {  	v13 =	vshrl.u32 v13, $0x3  }
0xe8: {  	v13 =	vshll.u32 v13, v2  }
0xe9: {  	v13 =	vbroadcast v13, $0x0;
	_ =	sdelay $0x1  }
0xea: {  	v11 =	vadd.f32 v12, v11;
	v12 =	vadd.s32 v3, v13;
	_ =	sdelay $0x1  }
0xeb: {  	v11 =	vmax.f32 v11, $0.0e+00  }
0xec: {  	[tilespmem:s1+$0xFFFFFFC0] =	vst v11  }
0xed: {  	[tilespmem:v10+s14+$0x0] =	vst.idx.msk $0xffff, v11  }
0xee: {  	s10 =	sadd.s32 $0xFFFFFFFB, s11;
	v10 =	vld.idx.msk [tilespmem:v12+s26+$0x0], $0xffff  }
0xef: {  	v13 =	vmov s10;
	v11 =	vld [tilespmem:s1+$0xFFFFFFD0]  }
0xf0: {  	v13 =	vshrl.u32 v13, $0x3  }
0xf1: {  	v13 =	vshll.u32 v13, v2  }
0xf2: {  	v13 =	vbroadcast v13, $0x0;
	_ =	sdelay $0x1  }
0xf3: {  	v10 =	vadd.f32 v11, v10;
	v11 =	vadd.s32 v4, v13;
	_ =	sdelay $0x1  }
0xf4: {  	v10 =	vmax.f32 v10, $0.0e+00  }
0xf5: {  	[tilespmem:s1+$0xFFFFFFD0] =	vst v10  }
0xf6: {  	[tilespmem:v12+s14+$0x0] =	vst.idx.msk $0xffff, v10  }
0xf7: {  	s20 =	sadd.s32 $0xFFFFFFFC, s11;
	v10 =	vld.idx.msk [tilespmem:v11+s26+$0x0], $0xffff  }
0xf8: {  	v13 =	vmov s20;
	v12 =	vld [tilespmem:s1+$0xFFFFFFE0]  }
0xf9: {  	v13 =	vshrl.u32 v13, $0x3  }
0xfa: {  	v13 =	vshll.u32 v13, v2  }
0xfb: {  	v13 =	vbroadcast v13, $0x0;
	_ =	sdelay $0x1  }
0xfc: {  	v10 =	vadd.f32 v12, v10;
	v12 =	vadd.s32 v5, v13;
	_ =	sdelay $0x1  }
0xfd: {  	v10 =	vmax.f32 v10, $0.0e+00  }
0xfe: {  	[tilespmem:s1+$0xFFFFFFE0] =	vst v10  }
0xff: {  	[tilespmem:v11+s14+$0x0] =	vst.idx.msk $0xffff, v10  }
0x100: {  	s3 =	sadd.s32 $0xFFFFFFFD, s11;
	v10 =	vld.idx.msk [tilespmem:v12+s26+$0x0], $0xffff  }
0x101: {  	v13 =	vmov s3;
	v11 =	vld [tilespmem:s1+$0xFFFFFFF0]  }
0x102: {  	v13 =	vshrl.u32 v13, $0x3  }
0x103: {  	v13 =	vshll.u32 v13, v2  }
0x104: {  	v13 =	vbroadcast v13, $0x0;
	_ =	sdelay $0x1  }
0x105: {  	v10 =	vadd.f32 v11, v10;
	v11 =	vadd.s32 v6, v13;
	_ =	sdelay $0x1  }
0x106: {  	v10 =	vmax.f32 v10, $0.0e+00  }
0x107: {  	[tilespmem:s1+$0xFFFFFFF0] =	vst v10  }
0x108: {  	[tilespmem:v12+s14+$0x0] =	vst.idx.msk $0xffff, v10  }
0x109: {  	s10 =	sadd.s32 $0xFFFFFFFE, s11;
	v10 =	vld.idx.msk [tilespmem:v11+s26+$0x0], $0xffff  }
0x10a: {  	v13 =	vmov s10;
	v12 =	vld [tilespmem:s1+$0x0]  }
0x10b: {  	v13 =	vshrl.u32 v13, $0x3  }
0x10c: {  	v13 =	vshll.u32 v13, v2  }
0x10d: {  	v13 =	vbroadcast v13, $0x0;
	_ =	sdelay $0x1  }
0x10e: {  	v10 =	vadd.f32 v12, v10;
	v12 =	vadd.s32 v7, v13;
	_ =	sdelay $0x1  }
0x10f: {  	v10 =	vmax.f32 v10, $0.0e+00  }
0x110: {  	[tilespmem:s1+$0x0] =	vst v10  }
0x111: {  	[tilespmem:v11+s14+$0x0] =	vst.idx.msk $0xffff, v10  }
0x112: {  	s20 =	sadd.s32 $0xFFFFFFFF, s11;
	v10 =	vld.idx.msk [tilespmem:v12+s26+$0x0], $0xffff  }
0x113: {  	v13 =	vmov s20;
	v11 =	vld [tilespmem:s1+$0x10]  }
0x114: {  	v13 =	vshrl.u32 v13, $0x3  }
0x115: {  	v13 =	vshll.u32 v13, v2  }
0x116: {  	v13 =	vbroadcast v13, $0x0;
	_ =	sdelay $0x1  }
0x117: {  	v10 =	vadd.f32 v11, v10;
	v11 =	vadd.s32 v8, v13;
	_ =	sdelay $0x1  }
0x118: {  	v10 =	vmax.f32 v10, $0.0e+00  }
0x119: {  	[tilespmem:s1+$0x10] =	vst v10  }
0x11a: {  	[tilespmem:v12+s14+$0x0] =	vst.idx.msk $0xffff, v10  }
0x11b: {  	v10 =	vld.idx.msk [tilespmem:v11+s26+$0x0], $0xffff  }
0x11c: {  	v13 =	vmov s11;
	v12 =	vld [tilespmem:s1+$0x20]  }
0x11d: {  	v13 =	vshrl.u32 v13, $0x3  }
0x11e: {  	v13 =	vshll.u32 v13, v2  }
0x11f: {  	v13 =	vbroadcast v13, $0x0;
	_ =	sdelay $0x1  }
0x120: {  	v10 =	vadd.f32 v12, v10;
	v12 =	vadd.s32 v9, v13;
	_ =	sdelay $0x1  }
0x121: {  	v10 =	vmax.f32 v10, $0.0e+00  }
0x122: {  	[tilespmem:s1+$0x20] =	vst v10  }
0x123: {  	[tilespmem:v11+s14+$0x0] =	vst.idx.msk $0xffff, v10  }
0x124: {  	v10 =	vld.idx.msk [tilespmem:v12+s26+$0x0], $0xffff  }
0x125: {  	v11 =	vld [tilespmem:s1+$0x30];
	_ =	sdelay $0x4  }
0x126: {  	v10 =	vadd.f32 v11, v10;
	_ =	sdelay $0x1  }
0x127: {  	v10 =	vmax.f32 v10, $0.0e+00  }
0x128: {  	[tilespmem:s1+$0x30] =	vst v10  }
0x129: {  	s10 =	smul.u32 $0x7D0, s17;
	[tilespmem:v12+s14+$0x0] =	vst.idx.msk $0xffff, v10  }
0x12a: {  	_ =	swait.ge [sflag:s15], $0x3E80  }
0x12b: {  	s3 =	sadd.s32 s18, s10;
	[sflag:s15] =	ssyncset.done $0x0  }
0x12c: {  	s1 =	sshrl.u32 s3, $0x3;
	[sflag:s15] =	ssyncadd.s32 $0xFFFFC180  }
0x12d: {  	[tilespmem:s13], [sflag:$0x4] =	stream.indirect.gather.add.f32 [hbm:s7], $0x10, s30, s24, $0xb8;
	[tilespmem:$0x1AEA0] =	vst v63  }
0x12e: {  	s1 =	sadd.s32 s9, s1  }
0x12f: {  	[hbm4b:s1+s24] =	stream.strided.scatter [tilespmem:s14], [sflag:$0x5], $0x3E80, s25, s24, $0x38;
	[tilespmem:$0x1AEA0] =	vst v63  }
0x130: {  	s4 =	smin.u32 s21, $0x7;
	s3 =	rddreg [dreg:$0x3]  }
0x131: {  	[spmem:s3] =	stream.indirect.scatter.add.f32 [tilespmem:s22], [sflag:$0x7], $0x10, s24, s24, $0xb8;
	[tilespmem:$0x1AEA0] =	vst v63  }
0x132: {  	s1 =	smul.u32 $0x3E8, s4;
	_ =	swait.ge [sflag:s23], $0x3E80  }
0x133: {  	s11 =	rddreg [dreg:$0xc]  }
0x134: {  	s1 =	sadd.s32 s1, s11  }
0x135: {  	[sflag:s23] =	ssyncset.done $0x0;
	s1 =	sshrl.u32 s1, $0x3  }
0x136: {  	[sflag:s23] =	ssyncadd.s32 $0xFFFFC180;
	s20 =	sadd.s32 s12, s1  }
0x137: {  	[tilespmem:s5], [sflag:$0x1] =	stream.linear.gather [hbm4b:s20+s5], $0x3E8, $0x38;
	[tilespmem:$0x1AEA0] =	vst v63  }
0x138: {  	s4 =	sadd.s32 $0x9C40, s20  }
0x139: {  	[tilespmem:s24], [sflag:$0x1] =	stream.linear.gather [hbm4b:s4+s5], $0x3E8, $0x38;
	[tilespmem:$0x1AEA0] =	vst v63  }
0x13a: {  	s1 =	sadd.s32 s8, s1  }
0x13b: {  	[tilespmem:s26], [sflag:$0x1] =	stream.strided.gather [hbm4b:s1+s24], $0x3E80, s25, s24, $0x38;
	[tilespmem:$0x1AEA0] =	vst v63  }
0x13c: {  	_ =	swait.ge [sflag:s28], $0x3E8  }
0x13d: {  	[sflag:s28] =	ssyncset.done $0x0  }
0x13e: {  	[sflag:s28] =	ssyncadd.s32 $0xFFFFFC18  }
0x13f: {  	_ =	swait.ge [sflag:s28], $0x3E8  }
0x140: {  	[sflag:s28] =	ssyncset.done $0x0  }
0x141: {  	s3 =	simm.s32 $0x0;
	[sflag:s28] =	ssyncadd.s32 $0xFFFFFC18  }
0x142: {  	v10 =	vmov s3;
	_ =	swait.ge [sflag:s28], $0x3E80  }
0x143: {  	v10 =	vshrl.u32 v10, $0x3;
	[sflag:s28] =	ssyncset.done $0x0  }
0x144: {  	v10 =	vshll.u32 v10, v2;
	[sflag:s28] =	ssyncadd.s32 $0xFFFFC180  }
0x145: {  	v10 =	vbroadcast v10, $0x0;
	[tilespmem:s22], [sflag:$0x3] =	stream.indirect.gather [hbm4b:s6+s24], $0x10, s5, s24, $0xb8;
	[tilespmem:$0x1AEA0] =	vst v63  }
0x146: {  	_ =	swait.ge [sflag:s15], $0x3E80  }
0x147: {  	v10 =	vadd.s32 v0, v10;
	[sflag:s15] =	ssyncset.done $0x0  }
0x148: {  	s1 =	simm.s32 @!p0 $0x6;
	[sflag:s15] =	ssyncadd.s32 $0xFFFFC180  }
0x149: {  	_ =	swait.ge @!p0 [sflag:s1], $0x3E80  }
0x14a: {  	[sflag:s1] =	ssyncset.done @!p0 $0x0  }
0x14b: {  	[sflag:s1] =	ssyncadd.s32 @!p0 $0xFFFFC180  }
0x14c: {  	s11 =	simm.s32 $0x8CE0;
	s4 =	simm.s32 $0x1;
	v11 =	vld.idx.msk [tilespmem:v10+s31+$0x0], $0xffff  }
0x14d: {  	v13 =	vmov s4;
	v12 =	vld [tilespmem:s11+$0xFFFFFFC0]  }
0x14e: {  	v13 =	vshrl.u32 v13, $0x3  }
0x14f: {  	v13 =	vshll.u32 v13, v2  }
0x150: {  	v13 =	vbroadcast v13, $0x0;
	_ =	sdelay $0x1  }
0x151: {  	v11 =	vadd.f32 v12, v11;
	v12 =	vadd.s32 v3, v13;
	_ =	sdelay $0x1  }
0x152: {  	v11 =	vmax.f32 v11, $0.0e+00  }
0x153: {  	[tilespmem:s11+$0xFFFFFFC0] =	vst v11  }
0x154: {  	[tilespmem:v10+s16+$0x0] =	vst.idx.msk $0xffff, v11  }
0x155: {  	s20 =	simm.s32 $0x2;
	v10 =	vld.idx.msk [tilespmem:v12+s31+$0x0], $0xffff  }
0x156: {  	v13 =	vmov s20;
	v11 =	vld [tilespmem:s11+$0xFFFFFFD0]  }
0x157: {  	v13 =	vshrl.u32 v13, $0x3  }
0x158: {  	v13 =	vshll.u32 v13, v2  }
0x159: {  	v13 =	vbroadcast v13, $0x0;
	_ =	sdelay $0x1  }
0x15a: {  	v10 =	vadd.f32 v11, v10;
	v11 =	vadd.s32 v4, v13;
	_ =	sdelay $0x1  }
0x15b: {  	v10 =	vmax.f32 v10, $0.0e+00  }
0x15c: {  	[tilespmem:s11+$0xFFFFFFD0] =	vst v10  }
0x15d: {  	[tilespmem:v12+s16+$0x0] =	vst.idx.msk $0xffff, v10  }
0x15e: {  	s3 =	simm.s32 $0x3;
	v10 =	vld.idx.msk [tilespmem:v11+s31+$0x0], $0xffff  }
0x15f: {  	v13 =	vmov s3;
	v12 =	vld [tilespmem:s11+$0xFFFFFFE0]  }
0x160: {  	v13 =	vshrl.u32 v13, $0x3  }
0x161: {  	v13 =	vshll.u32 v13, v2  }
0x162: {  	v13 =	vbroadcast v13, $0x0;
	_ =	sdelay $0x1  }
0x163: {  	v10 =	vadd.f32 v12, v10;
	v12 =	vadd.s32 v5, v13;
	_ =	sdelay $0x1  }
0x164: {  	v10 =	vmax.f32 v10, $0.0e+00  }
0x165: {  	[tilespmem:s11+$0xFFFFFFE0] =	vst v10  }
0x166: {  	[tilespmem:v11+s16+$0x0] =	vst.idx.msk $0xffff, v10  }
0x167: {  	s4 =	simm.s32 $0x4;
	v10 =	vld.idx.msk [tilespmem:v12+s31+$0x0], $0xffff  }
0x168: {  	v13 =	vmov s4;
	v11 =	vld [tilespmem:s11+$0xFFFFFFF0]  }
0x169: {  	v13 =	vshrl.u32 v13, $0x3  }
0x16a: {  	v13 =	vshll.u32 v13, v2  }
0x16b: {  	v13 =	vbroadcast v13, $0x0;
	_ =	sdelay $0x1  }
0x16c: {  	v10 =	vadd.f32 v11, v10;
	v11 =	vadd.s32 v6, v13;
	_ =	sdelay $0x1  }
0x16d: {  	v10 =	vmax.f32 v10, $0.0e+00  }
0x16e: {  	[tilespmem:s11+$0xFFFFFFF0] =	vst v10  }
0x16f: {  	[tilespmem:v12+s16+$0x0] =	vst.idx.msk $0xffff, v10  }
0x170: {  	s20 =	simm.s32 $0x5;
	v10 =	vld.idx.msk [tilespmem:v11+s31+$0x0], $0xffff  }
0x171: {  	v13 =	vmov s20;
	v12 =	vld [tilespmem:s11+$0x0]  }
0x172: {  	v13 =	vshrl.u32 v13, $0x3  }
0x173: {  	v13 =	vshll.u32 v13, v2  }
0x174: {  	v13 =	vbroadcast v13, $0x0;
	_ =	sdelay $0x1  }
0x175: {  	v10 =	vadd.f32 v12, v10;
	v12 =	vadd.s32 v7, v13;
	_ =	sdelay $0x1  }
0x176: {  	v10 =	vmax.f32 v10, $0.0e+00  }
0x177: {  	[tilespmem:s11+$0x0] =	vst v10  }
0x178: {  	[tilespmem:v11+s16+$0x0] =	vst.idx.msk $0xffff, v10  }
0x179: {  	s3 =	simm.s32 $0x6;
	v10 =	vld.idx.msk [tilespmem:v12+s31+$0x0], $0xffff  }
0x17a: {  	v13 =	vmov s3;
	v11 =	vld [tilespmem:s11+$0x10]  }
0x17b: {  	v13 =	vshrl.u32 v13, $0x3  }
0x17c: {  	v13 =	vshll.u32 v13, v2  }
0x17d: {  	v13 =	vbroadcast v13, $0x0;
	_ =	sdelay $0x1  }
0x17e: {  	v13 =	vadd.s32 v8, v13;
	v10 =	vadd.f32 v11, v10;
	_ =	sdelay $0x1  }
0x17f: {  	v10 =	vmax.f32 v10, $0.0e+00  }
0x180: {  	[tilespmem:s11+$0x10] =	vst v10  }
0x181: {  	[tilespmem:v12+s16+$0x0] =	vst.idx.msk $0xffff, v10  }
0x182: {  	s4 =	simm.s32 $0x7;
	v10 =	vld.idx.msk [tilespmem:v13+s31+$0x0], $0xffff  }
0x183: {  	v12 =	vmov s4;
	v11 =	vld [tilespmem:s11+$0x20]  }
0x184: {  	v12 =	vshrl.u32 v12, $0x3  }
0x185: {  	v12 =	vshll.u32 v12, v2  }
0x186: {  	v12 =	vbroadcast v12, $0x0;
	_ =	sdelay $0x1  }
0x187: {  	v10 =	vadd.f32 v11, v10;
	v11 =	vadd.s32 v9, v12;
	_ =	sdelay $0x1  }
0x188: {  	v10 =	vmax.f32 v10, $0.0e+00  }
0x189: {  	[tilespmem:s11+$0x20] =	vst v10  }
0x18a: {  	[tilespmem:v13+s16+$0x0] =	vst.idx.msk $0xffff, v10  }
0x18b: {  	v10 =	vld.idx.msk [tilespmem:v11+s31+$0x0], $0xffff  }
0x18c: {  	v12 =	vld [tilespmem:s11+$0x30]  }
0x18d: {  	s20 =	simm.s32 $0x8  }
0x18e: {  	v13 =	vmov s20  }
0x18f: {  	v13 =	vshrl.u32 v13, $0x3  }
0x190: {  	v13 =	vshll.u32 v13, v2  }
0x191: {  	v13 =	vbroadcast v13, $0x0;
	v10 =	vadd.f32 v12, v10;
	_ =	sdelay $0x1  }
0x192: {  	v12 =	vmax.f32 v10, $0.0e+00;
	v10 =	vadd.s32 v0, v13;
	_ =	sdelay $0x1  }
0x193: {  	s1 =	simm.s32 $0x17;
	s20 =	simm.s32 $0xF;
	[tilespmem:s11+$0x30] =	vst v12  }
.LBB2_7:
0x194: {  	p0 =	sne.s32 s1, $0x3E7  }
0x195: {  	[tilespmem:v11+s16+$0x0] =	vst.idx.msk $0xffff, v12;
	s11 =	sadd.s32 $0x80, s11;
	s4 =	smov.u32 s1;
	s1 =	sadd.s32 $0x8, s1  }
0x196: {  	s3 =	sadd.s32 $0xFFFFFFFA, s20;
	v11 =	vld.idx.msk [tilespmem:v10+s31+$0x0], $0xffff  }
0x197: {  	v13 =	vmov s3;
	v12 =	vld [tilespmem:s11+$0xFFFFFFC0]  }
0x198: {  	v13 =	vshrl.u32 v13, $0x3  }
0x199: {  	v13 =	vshll.u32 v13, v2  }
0x19a: {  	v13 =	vbroadcast v13, $0x0;
	_ =	sdelay $0x1  }
0x19b: {  	v11 =	vadd.f32 v12, v11;
	v12 =	vadd.s32 v3, v13;
	_ =	sdelay $0x1  }
0x19c: {  	v11 =	vmax.f32 v11, $0.0e+00  }
0x19d: {  	[tilespmem:s11+$0xFFFFFFC0] =	vst v11  }
0x19e: {  	[tilespmem:v10+s16+$0x0] =	vst.idx.msk $0xffff, v11  }
0x19f: {  	s3 =	sadd.s32 $0xFFFFFFFB, s20;
	v10 =	vld.idx.msk [tilespmem:v12+s31+$0x0], $0xffff  }
0x1a0: {  	v13 =	vmov s3;
	v11 =	vld [tilespmem:s11+$0xFFFFFFD0]  }
0x1a1: {  	v13 =	vshrl.u32 v13, $0x3  }
0x1a2: {  	v13 =	vshll.u32 v13, v2  }
0x1a3: {  	v13 =	vbroadcast v13, $0x0;
	_ =	sdelay $0x1  }
0x1a4: {  	v10 =	vadd.f32 v11, v10;
	v11 =	vadd.s32 v4, v13;
	_ =	sdelay $0x1  }
0x1a5: {  	v10 =	vmax.f32 v10, $0.0e+00  }
0x1a6: {  	[tilespmem:s11+$0xFFFFFFD0] =	vst v10  }
0x1a7: {  	[tilespmem:v12+s16+$0x0] =	vst.idx.msk $0xffff, v10  }
0x1a8: {  	s3 =	sadd.s32 $0xFFFFFFFC, s20;
	v10 =	vld.idx.msk [tilespmem:v11+s31+$0x0], $0xffff  }
0x1a9: {  	v13 =	vmov s3;
	v12 =	vld [tilespmem:s11+$0xFFFFFFE0]  }
0x1aa: {  	v13 =	vshrl.u32 v13, $0x3  }
0x1ab: {  	v13 =	vshll.u32 v13, v2  }
0x1ac: {  	v13 =	vbroadcast v13, $0x0;
	_ =	sdelay $0x1  }
0x1ad: {  	v10 =	vadd.f32 v12, v10;
	v12 =	vadd.s32 v5, v13;
	_ =	sdelay $0x1  }
0x1ae: {  	v10 =	vmax.f32 v10, $0.0e+00  }
0x1af: {  	[tilespmem:s11+$0xFFFFFFE0] =	vst v10  }
0x1b0: {  	[tilespmem:v11+s16+$0x0] =	vst.idx.msk $0xffff, v10  }
0x1b1: {  	s3 =	sadd.s32 $0xFFFFFFFD, s20;
	v10 =	vld.idx.msk [tilespmem:v12+s31+$0x0], $0xffff  }
0x1b2: {  	v13 =	vmov s3;
	v11 =	vld [tilespmem:s11+$0xFFFFFFF0]  }
0x1b3: {  	v13 =	vshrl.u32 v13, $0x3  }
0x1b4: {  	v13 =	vshll.u32 v13, v2  }
0x1b5: {  	v13 =	vbroadcast v13, $0x0;
	_ =	sdelay $0x1  }
0x1b6: {  	v10 =	vadd.f32 v11, v10;
	v11 =	vadd.s32 v6, v13;
	_ =	sdelay $0x1  }
0x1b7: {  	v10 =	vmax.f32 v10, $0.0e+00  }
0x1b8: {  	[tilespmem:s11+$0xFFFFFFF0] =	vst v10  }
0x1b9: {  	[tilespmem:v12+s16+$0x0] =	vst.idx.msk $0xffff, v10  }
0x1ba: {  	s3 =	sadd.s32 $0xFFFFFFFE, s20;
	v10 =	vld.idx.msk [tilespmem:v11+s31+$0x0], $0xffff  }
0x1bb: {  	v13 =	vmov s3;
	v12 =	vld [tilespmem:s11+$0x0]  }
0x1bc: {  	v13 =	vshrl.u32 v13, $0x3  }
0x1bd: {  	v13 =	vshll.u32 v13, v2  }
0x1be: {  	v13 =	vbroadcast v13, $0x0;
	_ =	sdelay $0x1  }
0x1bf: {  	v10 =	vadd.f32 v12, v10;
	v12 =	vadd.s32 v7, v13;
	_ =	sdelay $0x1  }
0x1c0: {  	v10 =	vmax.f32 v10, $0.0e+00  }
0x1c1: {  	[tilespmem:s11+$0x0] =	vst v10  }
0x1c2: {  	[tilespmem:v11+s16+$0x0] =	vst.idx.msk $0xffff, v10  }
0x1c3: {  	s3 =	sadd.s32 $0xFFFFFFFF, s20;
	v10 =	vld.idx.msk [tilespmem:v12+s31+$0x0], $0xffff  }
0x1c4: {  	v13 =	vmov s3;
	v11 =	vld [tilespmem:s11+$0x10]  }
0x1c5: {  	v13 =	vshrl.u32 v13, $0x3  }
0x1c6: {  	v13 =	vshll.u32 v13, v2  }
0x1c7: {  	v13 =	vbroadcast v13, $0x0;
	_ =	sdelay $0x1  }
0x1c8: {  	v13 =	vadd.s32 v8, v13;
	v10 =	vadd.f32 v11, v10;
	_ =	sdelay $0x1  }
0x1c9: {  	v10 =	vmax.f32 v10, $0.0e+00  }
0x1ca: {  	[tilespmem:s11+$0x10] =	vst v10  }
0x1cb: {  	[tilespmem:v12+s16+$0x0] =	vst.idx.msk $0xffff, v10  }
0x1cc: {  	v10 =	vld.idx.msk [tilespmem:v13+s31+$0x0], $0xffff  }
0x1cd: {  	v12 =	vmov s20;
	s20 =	smov.u32 s4;
	v11 =	vld [tilespmem:s11+$0x20]  }
0x1ce: {  	v12 =	vshrl.u32 v12, $0x3  }
0x1cf: {  	v12 =	vshll.u32 v12, v2  }
0x1d0: {  	v12 =	vbroadcast v12, $0x0;
	_ =	sdelay $0x1  }
0x1d1: {  	v10 =	vadd.f32 v11, v10;
	v11 =	vadd.s32 v9, v12;
	_ =	sdelay $0x1  }
0x1d2: {  	v10 =	vmax.f32 v10, $0.0e+00  }
0x1d3: {  	[tilespmem:s11+$0x20] =	vst v10  }
0x1d4: {  	[tilespmem:v13+s16+$0x0] =	vst.idx.msk $0xffff, v10  }
0x1d5: {  	s3 =	sadd.s32 $0xFFFFFFF9, s20;
	v12 =	vld.idx.msk [tilespmem:v11+s31+$0x0], $0xffff  }
0x1d6: {  	v10 =	vmov s3;
	v13 =	vld [tilespmem:s11+$0x30]  }
0x1d7: {  	v10 =	vshrl.u32 v10, $0x3  }
0x1d8: {  	v10 =	vshll.u32 v10, v2  }
0x1d9: {  	v10 =	vbroadcast v10, $0x0  }
.Ltmp2:
0x1da: {  	(pc) =	sbr.rel @p0 .LBB2_7-.Ltmp2, $3  }
0x1db: {  	v10 =	vadd.s32 v0, v10;
	v12 =	vadd.f32 v13, v12;
	_ =	sdelay $0x1  }
0x1dc: {  	v12 =	vmax.f32 v12, $0.0e+00  }
0x1dd: {  	[tilespmem:s11+$0x30] =	vst v12  }
0x1de: {  	_ =	sdelay $0x3  }
0x1df: {  	[tilespmem:v11+s16+$0x0] =	vst.idx.msk $0xffff, v12  }
0x1e0: {  	s1 =	sadd.s32 $0x80, s11;
	s3 =	sadd.s32 $0xFFFFFFFA, s20;
	v11 =	vld.idx.msk [tilespmem:v10+s31+$0x0], $0xffff  }
0x1e1: {  	v12 =	vld [tilespmem:s1+$0xFFFFFFC0];
	v13 =	vmov s3  }
0x1e2: {  	v13 =	vshrl.u32 v13, $0x3  }
0x1e3: {  	v13 =	vshll.u32 v13, v2  }
0x1e4: {  	v13 =	vbroadcast v13, $0x0;
	_ =	sdelay $0x1  }
0x1e5: {  	v11 =	vadd.f32 v12, v11;
	v54 =	vadd.s32 v3, v13;
	_ =	sdelay $0x1  }
0x1e6: {  	v11 =	vmax.f32 v11, $0.0e+00  }
0x1e7: {  	[tilespmem:s1+$0xFFFFFFC0] =	vst v11  }
0x1e8: {  	[tilespmem:v10+s16+$0x0] =	vst.idx.msk $0xffff, v11  }
0x1e9: {  	s11 =	sadd.s32 $0xFFFFFFFB, s20;
	v10 =	vld.idx.msk [tilespmem:v54+s31+$0x0], $0xffff  }
0x1ea: {  	v55 =	vmov s11;
	v11 =	vld [tilespmem:s1+$0xFFFFFFD0]  }
0x1eb: {  	v13 =	vshrl.u32 v55, $0x3  }
0x1ec: {  	v13 =	vshll.u32 v13, v2  }
0x1ed: {  	v13 =	vbroadcast v13, $0x0;
	_ =	sdelay $0x1  }
0x1ee: {  	v10 =	vadd.f32 v11, v10;
	v11 =	vadd.s32 v4, v13;
	_ =	sdelay $0x1  }
0x1ef: {  	v10 =	vmax.f32 v10, $0.0e+00  }
0x1f0: {  	[tilespmem:s1+$0xFFFFFFD0] =	vst v10  }
0x1f1: {  	[tilespmem:v54+s16+$0x0] =	vst.idx.msk $0xffff, v10  }
0x1f2: {  	s4 =	sadd.s32 $0xFFFFFFFC, s20;
	v10 =	vld.idx.msk [tilespmem:v11+s31+$0x0], $0xffff  }
0x1f3: {  	v56 =	vmov s4;
	v12 =	vld [tilespmem:s1+$0xFFFFFFE0]  }
0x1f4: {  	v13 =	vshrl.u32 v56, $0x3  }
0x1f5: {  	v13 =	vshll.u32 v13, v2  }
0x1f6: {  	v13 =	vbroadcast v13, $0x0;
	_ =	sdelay $0x1  }
0x1f7: {  	v57 =	vadd.s32 v5, v13;
	v10 =	vadd.f32 v12, v10;
	_ =	sdelay $0x1  }
0x1f8: {  	v10 =	vmax.f32 v10, $0.0e+00  }
0x1f9: {  	[tilespmem:s1+$0xFFFFFFE0] =	vst v10  }
0x1fa: {  	[tilespmem:v11+s16+$0x0] =	vst.idx.msk $0xffff, v10  }
0x1fb: {  	s11 =	sadd.s32 $0xFFFFFFFD, s20;
	v10 =	vld.idx.msk [tilespmem:v57+s31+$0x0], $0xffff  }
0x1fc: {  	v58 =	vmov s11;
	v11 =	vld [tilespmem:s1+$0xFFFFFFF0]  }
0x1fd: {  	v13 =	vshrl.u32 v58, $0x3  }
0x1fe: {  	v13 =	vshll.u32 v13, v2  }
0x1ff: {  	v13 =	vbroadcast v13, $0x0;
	_ =	sdelay $0x1  }
0x200: {  	v10 =	vadd.f32 v11, v10;
	v11 =	vadd.s32 v6, v13;
	_ =	sdelay $0x1  }
0x201: {  	v10 =	vmax.f32 v10, $0.0e+00  }
0x202: {  	[tilespmem:s1+$0xFFFFFFF0] =	vst v10  }
0x203: {  	[tilespmem:v57+s16+$0x0] =	vst.idx.msk $0xffff, v10  }
0x204: {  	s4 =	sadd.s32 $0xFFFFFFFE, s20;
	v10 =	vld.idx.msk [tilespmem:v11+s31+$0x0], $0xffff  }
0x205: {  	v59 =	vmov s4;
	v12 =	vld [tilespmem:s1+$0x0]  }
0x206: {  	v13 =	vshrl.u32 v59, $0x3  }
0x207: {  	v13 =	vshll.u32 v13, v2  }
0x208: {  	v13 =	vbroadcast v13, $0x0;
	_ =	sdelay $0x1  }
0x209: {  	v60 =	vadd.s32 v7, v13;
	v10 =	vadd.f32 v12, v10;
	_ =	sdelay $0x1  }
0x20a: {  	v10 =	vmax.f32 v10, $0.0e+00  }
0x20b: {  	[tilespmem:s1+$0x0] =	vst v10  }
0x20c: {  	[tilespmem:v11+s16+$0x0] =	vst.idx.msk $0xffff, v10  }
0x20d: {  	s11 =	sadd.s32 $0xFFFFFFFF, s20;
	v10 =	vld.idx.msk [tilespmem:v60+s31+$0x0], $0xffff  }
0x20e: {  	v61 =	vmov s11;
	v11 =	vld [tilespmem:s1+$0x10]  }
0x20f: {  	v13 =	vshrl.u32 v61, $0x3  }
0x210: {  	v13 =	vshll.u32 v13, v2  }
0x211: {  	v13 =	vbroadcast v13, $0x0;
	_ =	sdelay $0x1  }
0x212: {  	v10 =	vadd.f32 v11, v10;
	v11 =	vadd.s32 v8, v13;
	_ =	sdelay $0x1  }
0x213: {  	v10 =	vmax.f32 v10, $0.0e+00  }
0x214: {  	[tilespmem:s1+$0x10] =	vst v10  }
0x215: {  	[tilespmem:v60+s16+$0x0] =	vst.idx.msk $0xffff, v10  }
0x216: {  	v10 =	vld.idx.msk [tilespmem:v11+s31+$0x0], $0xffff  }
0x217: {  	v62 =	vmov s20;
	v12 =	vld [tilespmem:s1+$0x20]  }
0x218: {  	v13 =	vshrl.u32 v62, $0x3  }
0x219: {  	v13 =	vshll.u32 v13, v2  }
0x21a: {  	v13 =	vbroadcast v13, $0x0;
	_ =	sdelay $0x1  }
0x21b: {  	v63 =	vadd.s32 v9, v13;
	v10 =	vadd.f32 v12, v10;
	_ =	sdelay $0x1  }
0x21c: {  	v10 =	vmax.f32 v10, $0.0e+00  }
0x21d: {  	[tilespmem:s1+$0x20] =	vst v10  }
0x21e: {  	[tilespmem:v11+s16+$0x0] =	vst.idx.msk $0xffff, v10  }
0x21f: {  	v10 =	vld.idx.msk [tilespmem:v63+s31+$0x0], $0xffff  }
0x220: {  	v11 =	vld [tilespmem:s1+$0x30];
	_ =	sdelay $0x4  }
0x221: {  	v10 =	vadd.f32 v11, v10;
	_ =	sdelay $0x1  }
0x222: {  	v10 =	vmax.f32 v10, $0.0e+00  }
0x223: {  	[tilespmem:s1+$0x30] =	vst v10  }
0x224: {  	[tilespmem:v63+s16+$0x0] =	vst.idx.msk $0xffff, v10  }
0x225: {  	_ =	swait.ge [sflag:s0], $0x3E80  }
0x226: {  	s4 =	sadd.s32 s10, s19;
	[sflag:s0] =	ssyncset.done $0x0  }
0x227: {  	s1 =	sshrl.u32 s4, $0x3;
	[sflag:s0] =	ssyncadd.s32 $0xFFFFC180  }
0x228: {  	[tilespmem:s22], [sflag:$0x3] =	stream.indirect.gather.add.f32 [hbm:s7], $0x10, s24, s24, $0xb8;
	[tilespmem:$0x1AEA0] =	vst v63  }
0x229: {  	s1 =	sadd.s32 s9, s1  }
0x22a: {  	[hbm4b:s1+s24] =	stream.strided.scatter [tilespmem:s16], [sflag:$0x6], $0x3E80, s25, s24, $0x38;
	[tilespmem:$0x1AEA0] =	vst v63  }
0x22b: {  	s10 =	smin.u32 s21, $0x6;
	s11 =	rddreg [dreg:$0x3]  }
0x22c: {  	[spmem:s11] =	stream.indirect.scatter.add.f32 [tilespmem:s13], [sflag:$0x7], $0x10, s30, s24, $0xb8;
	[tilespmem:$0x1AEA0] =	vst v63  }
0x22d: {  	s1 =	smul.u32 $0x3E8, s10;
	_ =	swait.ge [sflag:s23], $0x3E80  }
0x22e: {  	s20 =	rddreg [dreg:$0xd]  }
0x22f: {  	s1 =	sadd.s32 s1, s20  }
0x230: {  	s17 =	sadd.s32 $0x1, s17;
	[sflag:s23] =	ssyncset.done $0x0;
	s1 =	sshrl.u32 s1, $0x3  }
0x231: {  	p0 =	sne.s32 s17, $0x5;
	[sflag:s23] =	ssyncadd.s32 $0xFFFFC180;
	s21 =	sadd.s32 s12, s1  }
0x232: {  	[tilespmem:s29], [sflag:$0x2] =	stream.linear.gather [hbm4b:s21+s5], $0x3E8, $0x38;
	[tilespmem:$0x1AEA0] =	vst v63  }
.Ltmp3:
0x233: {  	_ = 	snop;
	(pc) =	sbr.rel @p0 .LBB2_4-.Ltmp3, $4  }
0x234: {  	s3 =	sadd.s32 $0x9C40, s21  }
0x235: {  	[tilespmem:s30], [sflag:$0x2] =	stream.linear.gather [hbm4b:s3+s5], $0x3E8, $0x38;
	[tilespmem:$0x1AEA0] =	vst v63  }
0x236: {  	s1 =	sadd.s32 s8, s1  }
0x237: {  	[tilespmem:s31], [sflag:$0x2] =	stream.strided.gather [hbm4b:s1+s24], $0x3E80, s25, s24, $0x38;
	[tilespmem:$0x1AEA0] =	vst v63  }
0x238: {  	_ =	swait.ge [sflag:s2], $0x3E8  }
0x239: {  	[sflag:s2] =	ssyncset.done $0x0  }
0x23a: {  	[sflag:s2] =	ssyncadd.s32 $0xFFFFFC18  }
0x23b: {  	_ =	swait.ge [sflag:s2], $0x3E8  }
0x23c: {  	[sflag:s2] =	ssyncset.done $0x0  }
0x23d: {  	[sflag:s2] =	ssyncadd.s32 $0xFFFFFC18  }
0x23e: {  	_ =	swait.ge [sflag:s2], $0x3E80  }
0x23f: {  	[sflag:s2] =	ssyncset.done $0x0  }
0x240: {  	[sflag:s2] =	ssyncadd.s32 $0xFFFFC180  }
0x241: {  	_ =	swait.ge [sflag:s0], $0x3E80  }
0x242: {  	[sflag:s0] =	ssyncset.done $0x0  }
0x243: {  	s1 =	simm.s32 $0x5;
	[sflag:s0] =	ssyncadd.s32 $0xFFFFC180  }
0x244: {  	_ =	swait.ge [sflag:s1], $0x3E80  }
0x245: {  	[sflag:s1] =	ssyncset.done $0x0  }
0x246: {  	s21 =	simm.s32 $0x6;
	[sflag:s1] =	ssyncadd.s32 $0xFFFFC180  }
0x247: {  	_ =	swait.ge [sflag:s21], $0x3E80  }
0x248: {  	[sflag:s21] =	ssyncset.done $0x0  }
0x249: {  	[sflag:s21] =	ssyncadd.s32 $0xFFFFC180  }
0x24a: {  	[bflag:$0x0] =	sbarrier.arrive $0xFFFF  }
0x24b: {  	s1 =	simm.s32 $0x7D0;
	s17 =	rddreg [dreg:$0x5]  }
0x24c: {  	[tilespmem:s1], [sflag:$0x7] =	stream.linear.gather [spmem:s17], $0x2800, $0x38;
	[tilespmem:$0x1AEA0] =	vst v63  }
0x24d: {  	s3 =	simm.s32 $0x0;
	_ =	swait.ge [sflag:s23], $0x2800  }
0x24e: {  	v10 =	vmov s3;
	[sflag:s23] =	ssyncset.done $0x0  }
0x24f: {  	v11 =	vand.u32 $0x3FF, v10;
	[sflag:s23] =	ssyncadd.s32 $0xFFFFD800  }
0x250: {  	s4 =	simm.s32 $0x1;
	v11 =	vadd.s32 v0, v11;
	v10 =	vld [tilespmem:s1+$0x0]  }
.LBB2_10:
0x251: {  	p0 =	sne.s32 s4, $0x27F  }
.Ltmp4:
0x252: {  	_ = 	snop;
	(pc) =	sbr.rel @p0 .LBB2_10-.Ltmp4, $4  }
0x253: {  	_ = 	snop  }
0x254: {  	v12 =	vmov s4;
	s4 =	sadd.s32 $0x1, s4  }
0x255: {  	s1 =	sadd.s32 $0x10, s1;
	v12 =	vand.u32 $0x3FF, v12;
	[tilespmem:v11+s14+$0x0] =	vst.idx.msk $0xffff, v10  }
0x256: {  	v11 =	vadd.s32 v0, v12;
	v10 =	vld [tilespmem:s1+$0x0]  }
0x257: {  	_ =	sdelay $0x3  }
0x258: {  	s3 =	rddreg [dreg:$0xe];
	[tilespmem:v11+s14+$0x0] =	vst.idx.msk $0xffff, v10  }
0x259: {  	[hbm4b:s3+s5] =	stream.linear.scatter [tilespmem:s14], [sflag:$0x7], $0x280, $0x38;
	[tilespmem:$0x1AEA0] =	vst v63  }
0x25a: {  	s4 =	simm.s32 $0x10D88;
	s1 =	sadd.s32 $0xA00, s3  }
0x25b: {  	[hbm4b:s1+s5] =	stream.linear.scatter [tilespmem:s4], [sflag:$0x7], $0x280, $0x38;
	[tilespmem:$0x1AEA0] =	vst v63  }
0x25c: {  	s21 =	simm.s32 $0x11170;
	s20 =	sadd.s32 $0x1400, s3  }
0x25d: {  	[hbm4b:s20+s5] =	stream.linear.scatter [tilespmem:s21], [sflag:$0x7], $0x280, $0x38;
	[tilespmem:$0x1AEA0] =	vst v63  }
0x25e: {  	s11 =	simm.s32 $0x11558;
	s10 =	sadd.s32 $0x1E00, s3  }
0x25f: {  	[hbm4b:s10+s5] =	stream.linear.scatter [tilespmem:s11], [sflag:$0x7], $0x280, $0x38;
	[tilespmem:$0x1AEA0] =	vst v63  }
0x260: {  	s20 =	sadd.s32 $0x2800, s3;
	s21 =	simm.s32 $0x11940  }
0x261: {  	[hbm4b:s20+s5] =	stream.linear.scatter [tilespmem:s21], [sflag:$0x7], $0x280, $0x38;
	[tilespmem:$0x1AEA0] =	vst v63  }
0x262: {  	s10 =	sadd.s32 $0x3200, s3;
	s11 =	simm.s32 $0x11D28  }
0x263: {  	[hbm4b:s10+s5] =	stream.linear.scatter [tilespmem:s11], [sflag:$0x7], $0x280, $0x38;
	[tilespmem:$0x1AEA0] =	vst v63  }
0x264: {  	s20 =	sadd.s32 $0x3C00, s3;
	s21 =	simm.s32 $0x12110  }
0x265: {  	[hbm4b:s20+s5] =	stream.linear.scatter [tilespmem:s21], [sflag:$0x7], $0x280, $0x38;
	[tilespmem:$0x1AEA0] =	vst v63  }
0x266: {  	s10 =	sadd.s32 $0x4600, s3;
	s11 =	simm.s32 $0x124F8  }
0x267: {  	[hbm4b:s10+s5] =	stream.linear.scatter [tilespmem:s11], [sflag:$0x7], $0x280, $0x38;
	[tilespmem:$0x1AEA0] =	vst v63  }
0x268: {  	s20 =	sadd.s32 $0x5000, s3;
	s21 =	simm.s32 $0x128E0  }
0x269: {  	[hbm4b:s20+s5] =	stream.linear.scatter [tilespmem:s21], [sflag:$0x7], $0x280, $0x38;
	[tilespmem:$0x1AEA0] =	vst v63  }
0x26a: {  	s10 =	sadd.s32 $0x5A00, s3;
	s11 =	simm.s32 $0x12CC8  }
0x26b: {  	[hbm4b:s10+s5] =	stream.linear.scatter [tilespmem:s11], [sflag:$0x7], $0x280, $0x38;
	[tilespmem:$0x1AEA0] =	vst v63  }
0x26c: {  	s20 =	sadd.s32 $0x6400, s3;
	s21 =	simm.s32 $0x130B0  }
0x26d: {  	[hbm4b:s20+s5] =	stream.linear.scatter [tilespmem:s21], [sflag:$0x7], $0x280, $0x38;
	[tilespmem:$0x1AEA0] =	vst v63  }
0x26e: {  	s10 =	sadd.s32 $0x6E00, s3;
	s11 =	simm.s32 $0x13498  }
0x26f: {  	[hbm4b:s10+s5] =	stream.linear.scatter [tilespmem:s11], [sflag:$0x7], $0x280, $0x38;
	[tilespmem:$0x1AEA0] =	vst v63  }
0x270: {  	s20 =	sadd.s32 $0x7800, s3;
	s21 =	simm.s32 $0x13880  }
0x271: {  	[hbm4b:s20+s5] =	stream.linear.scatter [tilespmem:s21], [sflag:$0x7], $0x280, $0x38;
	[tilespmem:$0x1AEA0] =	vst v63  }
0x272: {  	s10 =	sadd.s32 $0x8200, s3;
	s11 =	simm.s32 $0x13C68  }
0x273: {  	[hbm4b:s10+s5] =	stream.linear.scatter [tilespmem:s11], [sflag:$0x7], $0x280, $0x38;
	[tilespmem:$0x1AEA0] =	vst v63  }
0x274: {  	s20 =	sadd.s32 $0x8C00, s3;
	s21 =	simm.s32 $0x14050  }
0x275: {  	[hbm4b:s20+s5] =	stream.linear.scatter [tilespmem:s21], [sflag:$0x7], $0x280, $0x38;
	[tilespmem:$0x1AEA0] =	vst v63  }
0x276: {  	s10 =	sadd.s32 $0x9600, s3;
	s11 =	simm.s32 $0x14438  }
0x277: {  	[hbm4b:s10+s5] =	stream.linear.scatter [tilespmem:s11], [sflag:$0x7], $0x280, $0x38;
	[tilespmem:$0x1AEA0] =	vst v63  }
0x278: {  	_ =	swait.ge [sflag:s23], $0x2800  }
0x279: {  	s20 =	rddreg [dreg:$0x10]  }
0x27a: {  	s21 =	rddreg [dreg:$0xf];
	s3 =	sadd.s32 $0x1, s20  }
0x27b: {  	p0 =	sne.s32 s3, s21  }
.Ltmp5:
0x27c: {  	_ = 	snop;
	(pc) =	sbr.rel @p0 .LBB2_1-.Ltmp5, $3  }
0x27d: {  	_ =	sdelay $0x1  }
0x27e: {  	[sflag:s23] =	ssyncset.done $0x0  }
0x27f: {  	[sflag:s23] =	ssyncadd.s32 $0xFFFFD800  }
0x280: {  	_ =	sfence.sel $0x180000  }
0x281: {  	[bflag:$0x0] =	sbarrier.arrive $0xFFFF  }
0x282: {  	_ =	strace $0x90000047  }
0x283: {  	s0 =	stileid.u32;
	[bflag:$0x2] =	sbarrier.arrive $0xFFFF  }
0x284: {  	p0 =	sne.s32 s0, $0x0;
	s0 =	rddreg [dreg:$0x4]  }
0x285: {  	s0 =	sadd.s32 @!p0 $0x100000, s0  }
0x286: {  	[sflag:s0] =	ssyncadd.tile.s32 @!p0 $0x1;
	_ =	shalt  }
.Lfunc_end2:
_tile_overlayer_lowered:
.L_overlay_start_2:
0x287: {  	(tag) =	ssettag $0x2  }
0x288: {  	s0 =	rddreg [dreg:$0x0];
	s2 =	stileid.u32  }
0x289: {  	s1 =	rddreg [dreg:$0x1];
	p0 =	sne.s32 s2, $0x0  }
0x28a: {  	s3 =	rddreg [dreg:$0x2];
	[bflag:$0x3] =	sbarrier.arrive $0xFFFF;
	s2 =	simm.s32 @!p0 $0x1C07  }
0x28b: {  	[timem:s3], [sflag:s2] =	dma.local @!p0 [hbm:s0], s1  }
0x28c: {  	s0 =	simm.s32 @!p0 $0x7  }
0x28d: {  	_ =	swait.ge @!p0 [sflag:s0], s1  }
0x28e: {  	s1 =	ssub.s32 @!p0 $0x0, s1;
	[sflag:s0] =	ssyncset.done @!p0 $0x0  }
0x28f: {  	[sflag:s0] =	ssyncadd.s32 @!p0 s1  }
0x290: {  	[bflag:$0x3] =	sbarrier.arrive $0xFFFF  }
0x291: {  	_ =	shalt  }

</sc_bundles>
